<compile_context>
chip_gen: v7x
topology: tpu7x:2x2x1
jax: 0.10.2.dev20260603
libtpu: 0.0.44.dev20260713+nightly
codegen_flags: <defaults>
</compile_context>

<pallas_src>
import functools

import jax
import jax.numpy as jnp
from jax import lax
from jax.experimental import pallas as pl
from jax.experimental.pallas import tpu as pltpu
from jax.experimental.pallas import tpu_sc as plsc

R = 4096
C = 100000
NS = 16
PER = R // NS
L = 16
G = 128


def _lane_shuffle(v, idx):
    dn = lax.GatherDimensionNumbers(
        offset_dims=(), collapsed_slice_dims=(0,), start_index_map=(0,))
    return lax.gather(v, idx[:, None], dn, (1,),
                      mode=lax.GatherScatterMode.PROMISE_IN_BOUNDS)


def _sc_logit_loss(logits_t, labels):
    mesh = plsc.VectorSubcoreMesh(
        core_axis_name="c", subcore_axis_name="s", num_cores=1,
        num_subcores=NS)

    @functools.partial(
        pl.kernel,
        out_type=(jax.ShapeDtypeStruct((L,), jnp.float32),
                  jax.ShapeDtypeStruct((NS, L), jnp.float32)),
        mesh=mesh,
        compiler_params=pltpu.CompilerParams(needs_layout_passes=False),
        scratch_types=[
            pltpu.VMEM((PER,), jnp.int32),
            pltpu.VMEM((G, G), jnp.float32),
            pltpu.VMEM((G, G), jnp.float32),
            pltpu.VMEM((L,), jnp.float32),
            pltpu.VMEM((NS, L), jnp.float32),
            pltpu.SemaphoreType.DMA,
        ],
    )
    def body(lt_hbm, labels_hbm, out_hbm, part_hbm,
             lab_v, blk_a, blk_b, stage_v, tmp_v, sem):
        s = lax.axis_index("s")
        base = s * PER
        pltpu.sync_copy(labels_hbm.at[pl.ds(base, PER)], lab_v)
        cp_a = pltpu.async_copy(
            lt_hbm.at[lab_v.at[pl.ds(0, G)], pl.ds(base, G)], blk_a, sem)
        cp_b = pltpu.async_copy(
            lt_hbm.at[lab_v.at[pl.ds(G, G)], pl.ds(base + G, G)], blk_b, sem)
        cp_a.wait()
        cp_b.wait()
        acc = jnp.zeros((L,), jnp.float32)
        lane = lax.iota(jnp.int32, L)
        for c in range(G // L):
            diag = lane + c * L
            acc = acc + plsc.load_gather(blk_a, [diag, diag])
            acc = acc + plsc.load_gather(blk_b, [diag, diag])
        stage_v[...] = acc
        pltpu.sync_copy(stage_v, part_hbm.at[s])
        plsc.subcore_barrier()

        @pl.when(s == 0)
        def _():
            pltpu.sync_copy(part_hbm, tmp_v)
            tot = jnp.zeros((L,), jnp.float32)
            for r in range(NS):
                tot = tot + tmp_v[r]
            for sh in (8, 4, 2, 1):
                tot = tot + _lane_shuffle(tot, lane ^ sh)
            stage_v[...] = tot * (-1.0 / R)
            pltpu.sync_copy(stage_v, out_hbm)

    return body(logits_t, labels)


def kernel(logits, labels):
    out, _ = _sc_logit_loss(logits.T, labels.astype(jnp.int32))
    return out[0]

# --- scband reference (transcript-rebuilt; emitter-appended) ---
"""Pipeline reference for scband-logit-loss-47339129536747 (READ-ONLY COPY).

The authoritative reference and input builder live on the scoring server;
editing this copy changes nothing except your own understanding.
"""

import jax, jax.numpy as jnp
import numpy as np

def setup_inputs(seed: int = 0) -> dict:
    key = jax.random.key(seed)
    k1, k2 = jax.random.split(key)
    logits = jax.random.normal(k1, (4096, 100000), dtype=jnp.float32)
    labels = jax.random.randint(k2, (4096,), 0, 100000, dtype=jnp.int64 if jax.config.jax_enable_x64 else jnp.int32)
    return {"logits": logits, "labels": labels}

def reference(logits, labels):
    # real = logits.gather(1, labels.unsqueeze(1)).squeeze(1)
    real = jnp.take_along_axis(logits, labels[:, None], axis=1).squeeze(1)
    logit_dists = -1.0 * real
    loss = jnp.mean(logit_dists)
    return loss

if __name__ == "__main__":
    import jax
    _d = setup_inputs()
    print(jax.jit(kernel)(*tuple(_d.values())))

</pallas_src>

<mosaic_0001>
#map = affine_map<(d0, d1) -> (0, 0)>
#map1 = affine_map<(d0, d1) -> (0)>
module attributes {stable_mosaic.version = 14 : i64} {
  func.func @body(%arg0: i32, %arg1: i32, %arg2: memref<100000x4096xf32, #tpu.memory_space<hbm>>, %arg3: memref<4096xi32, #tpu.memory_space<hbm>>, %arg4: memref<16xf32, #tpu.memory_space<hbm>>, %arg5: memref<16x16xf32, #tpu.memory_space<hbm>>, %arg6: memref<256xi32, #tpu.memory_space<vmem>>, %arg7: memref<128x128xf32, #tpu.memory_space<vmem>>, %arg8: memref<128x128xf32, #tpu.memory_space<vmem>>, %arg9: memref<16xf32, #tpu.memory_space<vmem>>, %arg10: memref<16x16xf32, #tpu.memory_space<vmem>>, %arg11: memref<!tpu.dma_semaphore, #tpu.memory_space<semaphore_mem>>) attributes {dimension_semantics = [#tpu.dimension_semantics<core_parallel>, #tpu.dimension_semantics<subcore_parallel>], iteration_bounds = array<i64: 1, 16>, scalar_prefetch = 0 : i64, scratch_operands = 6 : i64, tpu.core_type = #tpu.core_type<sc_vector_subcore>, window_params = [{transform_indices = #map}, {transform_indices = #map1}, {transform_indices = #map1}, {transform_indices = #map}]} {
    %mul3A = arith.constant 256 : i32
    %mul3A_0 = arith.muli %arg1, %mul3A : i32
    "tpu.region"() ({
      %run_scoped3A = tpu.sem_alloc : memref<!tpu.dma_semaphore, #tpu.memory_space<semaphore_mem>>
      %dma_start3A_75 = tpu.memref_slice %arg3[%mul3A_0] : memref<4096xi32, #tpu.memory_space<hbm>> -> memref<256xi32, #tpu.memory_space<hbm>>
      %dma_start3A_76 = tpu.memref_slice %arg3[%mul3A_0] : memref<4096xi32, #tpu.memory_space<hbm>> -> memref<256xi32, #tpu.memory_space<hbm>>
      tpu.enqueue_dma source(%dma_start3A_76 : memref<256xi32, #tpu.memory_space<hbm>>) target(%arg6 : memref<256xi32, #tpu.memory_space<vmem>>) target_semaphore(%run_scoped3A : memref<!tpu.dma_semaphore, #tpu.memory_space<semaphore_mem>>)
      %dma_wait3A_77 = tpu.memref_slice %arg3[%mul3A_0] : memref<4096xi32, #tpu.memory_space<hbm>> -> memref<256xi32, #tpu.memory_space<hbm>>
      %dma_wait3A_78 = tpu.memref_slice %arg3[%mul3A_0] : memref<4096xi32, #tpu.memory_space<hbm>> -> memref<256xi32, #tpu.memory_space<hbm>>
      tpu.wait_dma2 semaphore(%run_scoped3A : memref<!tpu.dma_semaphore, #tpu.memory_space<semaphore_mem>>) src(%dma_wait3A_78 : memref<256xi32, #tpu.memory_space<hbm>>) dst(%arg6 : memref<256xi32, #tpu.memory_space<vmem>>)
      tpu.yield
    }) : () -> ()
    %dma_start3A = arith.constant 0 : i32
    %dma_start3A_1 = tpu.memref_slice %arg6[%dma_start3A] : memref<256xi32, #tpu.memory_space<vmem>> -> memref<128xi32, #tpu.memory_space<vmem>>
    %dma_start3A_2 = arith.constant 0 : i32
    %dma_start3A_3 = tpu.memref_slice %arg2[%dma_start3A_2, %mul3A_0] : memref<100000x4096xf32, #tpu.memory_space<hbm>> -> memref<100000x128xf32, #tpu.memory_space<hbm>>
    tpu.enqueue_indirect_dma source(%dma_start3A_3 : memref<100000x128xf32, #tpu.memory_space<hbm>>) target(%arg7 : memref<128x128xf32, #tpu.memory_space<vmem>>) offsets(%dma_start3A_1 : memref<128xi32, #tpu.memory_space<vmem>>) semaphore(%arg11 : memref<!tpu.dma_semaphore, #tpu.memory_space<semaphore_mem>>)
    %add3A = arith.constant 128 : i32
    %add3A_4 = arith.addi %mul3A_0, %add3A : i32
    %dma_start3A_5 = arith.constant 128 : i32
    %dma_start3A_6 = tpu.memref_slice %arg6[%dma_start3A_5] : memref<256xi32, #tpu.memory_space<vmem>> -> memref<128xi32, #tpu.memory_space<vmem>>
    %dma_start3A_7 = arith.constant 0 : i32
    %dma_start3A_8 = tpu.memref_slice %arg2[%dma_start3A_7, %add3A_4] : memref<100000x4096xf32, #tpu.memory_space<hbm>> -> memref<100000x128xf32, #tpu.memory_space<hbm>>
    tpu.enqueue_indirect_dma source(%dma_start3A_8 : memref<100000x128xf32, #tpu.memory_space<hbm>>) target(%arg8 : memref<128x128xf32, #tpu.memory_space<vmem>>) offsets(%dma_start3A_6 : memref<128xi32, #tpu.memory_space<vmem>>) semaphore(%arg11 : memref<!tpu.dma_semaphore, #tpu.memory_space<semaphore_mem>>)
    %dma_wait3A = arith.constant 0 : i32
    %dma_wait3A_9 = tpu.memref_slice %arg6[%dma_wait3A] : memref<256xi32, #tpu.memory_space<vmem>> -> memref<128xi32, #tpu.memory_space<vmem>>
    %dma_wait3A_10 = arith.constant 0 : i32
    %dma_wait3A_11 = tpu.memref_slice %arg2[%dma_wait3A_10, %mul3A_0] : memref<100000x4096xf32, #tpu.memory_space<hbm>> -> memref<100000x128xf32, #tpu.memory_space<hbm>>
    tpu.wait_indirect_dma semaphore(%arg11 : memref<!tpu.dma_semaphore, #tpu.memory_space<semaphore_mem>>) src(%dma_wait3A_11 : memref<100000x128xf32, #tpu.memory_space<hbm>>) dst(%arg7 : memref<128x128xf32, #tpu.memory_space<vmem>>)
    %dma_wait3A_12 = arith.constant 128 : i32
    %dma_wait3A_13 = tpu.memref_slice %arg6[%dma_wait3A_12] : memref<256xi32, #tpu.memory_space<vmem>> -> memref<128xi32, #tpu.memory_space<vmem>>
    %dma_wait3A_14 = arith.constant 0 : i32
    %dma_wait3A_15 = tpu.memref_slice %arg2[%dma_wait3A_14, %add3A_4] : memref<100000x4096xf32, #tpu.memory_space<hbm>> -> memref<100000x128xf32, #tpu.memory_space<hbm>>
    tpu.wait_indirect_dma semaphore(%arg11 : memref<!tpu.dma_semaphore, #tpu.memory_space<semaphore_mem>>) src(%dma_wait3A_15 : memref<100000x128xf32, #tpu.memory_space<hbm>>) dst(%arg8 : memref<128x128xf32, #tpu.memory_space<vmem>>)
    %broadcast_in_dim3A = arith.constant 0.000000e+00 : f32
    %broadcast_in_dim3A_16 = vector.broadcast %broadcast_in_dim3A : f32 to vector<16xf32>
    %iota3A = tpu.iota {dimensions = array<i32: 0>} : vector<16xi32>
    %add3A_17 = arith.constant 0 : i32
    %add3A_18 = vector.broadcast %add3A_17 : i32 to vector<16xi32>
    %add3A_19 = arith.addi %iota3A, %add3A_18 : vector<16xi32>
    %gather3A = tpu.vector_load_idx %arg7[%add3A_19, %add3A_19] : memref<128x128xf32, #tpu.memory_space<vmem>>[vector<16xi32>, vector<16xi32>], vector<16xf32>,
    %add3A_20 = arith.addf %broadcast_in_dim3A_16, %gather3A : vector<16xf32>
    %gather3A_21 = tpu.vector_load_idx %arg8[%add3A_19, %add3A_19] : memref<128x128xf32, #tpu.memory_space<vmem>>[vector<16xi32>, vector<16xi32>], vector<16xf32>,
    %add3A_22 = arith.addf %add3A_20, %gather3A_21 : vector<16xf32>
    %add3A_23 = arith.constant 16 : i32
    %add3A_24 = vector.broadcast %add3A_23 : i32 to vector<16xi32>
    %add3A_25 = arith.addi %iota3A, %add3A_24 : vector<16xi32>
    %gather3A_26 = tpu.vector_load_idx %arg7[%add3A_25, %add3A_25] : memref<128x128xf32, #tpu.memory_space<vmem>>[vector<16xi32>, vector<16xi32>], vector<16xf32>,
    %add3A_27 = arith.addf %add3A_22, %gather3A_26 : vector<16xf32>
    %gather3A_28 = tpu.vector_load_idx %arg8[%add3A_25, %add3A_25] : memref<128x128xf32, #tpu.memory_space<vmem>>[vector<16xi32>, vector<16xi32>], vector<16xf32>,
    %add3A_29 = arith.addf %add3A_27, %gather3A_28 : vector<16xf32>
    %add3A_30 = arith.constant 32 : i32
    %add3A_31 = vector.broadcast %add3A_30 : i32 to vector<16xi32>
    %add3A_32 = arith.addi %iota3A, %add3A_31 : vector<16xi32>
    %gather3A_33 = tpu.vector_load_idx %arg7[%add3A_32, %add3A_32] : memref<128x128xf32, #tpu.memory_space<vmem>>[vector<16xi32>, vector<16xi32>], vector<16xf32>,
    %add3A_34 = arith.addf %add3A_29, %gather3A_33 : vector<16xf32>
    %gather3A_35 = tpu.vector_load_idx %arg8[%add3A_32, %add3A_32] : memref<128x128xf32, #tpu.memory_space<vmem>>[vector<16xi32>, vector<16xi32>], vector<16xf32>,
    %add3A_36 = arith.addf %add3A_34, %gather3A_35 : vector<16xf32>
    %add3A_37 = arith.constant 48 : i32
    %add3A_38 = vector.broadcast %add3A_37 : i32 to vector<16xi32>
    %add3A_39 = arith.addi %iota3A, %add3A_38 : vector<16xi32>
    %gather3A_40 = tpu.vector_load_idx %arg7[%add3A_39, %add3A_39] : memref<128x128xf32, #tpu.memory_space<vmem>>[vector<16xi32>, vector<16xi32>], vector<16xf32>,
    %add3A_41 = arith.addf %add3A_36, %gather3A_40 : vector<16xf32>
    %gather3A_42 = tpu.vector_load_idx %arg8[%add3A_39, %add3A_39] : memref<128x128xf32, #tpu.memory_space<vmem>>[vector<16xi32>, vector<16xi32>], vector<16xf32>,
    %add3A_43 = arith.addf %add3A_41, %gather3A_42 : vector<16xf32>
    %add3A_44 = arith.constant 64 : i32
    %add3A_45 = vector.broadcast %add3A_44 : i32 to vector<16xi32>
    %add3A_46 = arith.addi %iota3A, %add3A_45 : vector<16xi32>
    %gather3A_47 = tpu.vector_load_idx %arg7[%add3A_46, %add3A_46] : memref<128x128xf32, #tpu.memory_space<vmem>>[vector<16xi32>, vector<16xi32>], vector<16xf32>,
    %add3A_48 = arith.addf %add3A_43, %gather3A_47 : vector<16xf32>
    %gather3A_49 = tpu.vector_load_idx %arg8[%add3A_46, %add3A_46] : memref<128x128xf32, #tpu.memory_space<vmem>>[vector<16xi32>, vector<16xi32>], vector<16xf32>,
    %add3A_50 = arith.addf %add3A_48, %gather3A_49 : vector<16xf32>
    %add3A_51 = arith.constant 80 : i32
    %add3A_52 = vector.broadcast %add3A_51 : i32 to vector<16xi32>
    %add3A_53 = arith.addi %iota3A, %add3A_52 : vector<16xi32>
    %gather3A_54 = tpu.vector_load_idx %arg7[%add3A_53, %add3A_53] : memref<128x128xf32, #tpu.memory_space<vmem>>[vector<16xi32>, vector<16xi32>], vector<16xf32>,
    %add3A_55 = arith.addf %add3A_50, %gather3A_54 : vector<16xf32>
    %gather3A_56 = tpu.vector_load_idx %arg8[%add3A_53, %add3A_53] : memref<128x128xf32, #tpu.memory_space<vmem>>[vector<16xi32>, vector<16xi32>], vector<16xf32>,
    %add3A_57 = arith.addf %add3A_55, %gather3A_56 : vector<16xf32>
    %add3A_58 = arith.constant 96 : i32
    %add3A_59 = vector.broadcast %add3A_58 : i32 to vector<16xi32>
    %add3A_60 = arith.addi %iota3A, %add3A_59 : vector<16xi32>
    %gather3A_61 = tpu.vector_load_idx %arg7[%add3A_60, %add3A_60] : memref<128x128xf32, #tpu.memory_space<vmem>>[vector<16xi32>, vector<16xi32>], vector<16xf32>,
    %add3A_62 = arith.addf %add3A_57, %gather3A_61 : vector<16xf32>
    %gather3A_63 = tpu.vector_load_idx %arg8[%add3A_60, %add3A_60] : memref<128x128xf32, #tpu.memory_space<vmem>>[vector<16xi32>, vector<16xi32>], vector<16xf32>,
    %add3A_64 = arith.addf %add3A_62, %gather3A_63 : vector<16xf32>
    %add3A_65 = arith.constant 112 : i32
    %add3A_66 = vector.broadcast %add3A_65 : i32 to vector<16xi32>
    %add3A_67 = arith.addi %iota3A, %add3A_66 : vector<16xi32>
    %gather3A_68 = tpu.vector_load_idx %arg7[%add3A_67, %add3A_67] : memref<128x128xf32, #tpu.memory_space<vmem>>[vector<16xi32>, vector<16xi32>], vector<16xf32>,
    %add3A_69 = arith.addf %add3A_64, %gather3A_68 : vector<16xf32>
    %gather3A_70 = tpu.vector_load_idx %arg8[%add3A_67, %add3A_67] : memref<128x128xf32, #tpu.memory_space<vmem>>[vector<16xi32>, vector<16xi32>], vector<16xf32>,
    %add3A_71 = arith.addf %add3A_69, %gather3A_70 : vector<16xf32>
    %swap3A = arith.constant 0 : index
    %swap3A_72 = tpu.vector_load %arg9[%swap3A] {strides = array<i32>} : memref<16xf32, #tpu.memory_space<vmem>>, vector<16xf32>,
    tpu.vector_store %arg9[%swap3A], %add3A_71 {strides = array<i32>} : memref<16xf32, #tpu.memory_space<vmem>>, vector<16xf32>,
    "tpu.region"() ({
      %run_scoped3A = tpu.sem_alloc : memref<!tpu.dma_semaphore, #tpu.memory_space<semaphore_mem>>
      %dma_start3A_75 = arith.constant 0 : i32
      %dma_start3A_76 = tpu.memref_slice %arg5[%arg1, %dma_start3A_75] : memref<16x16xf32, #tpu.memory_space<hbm>> -> memref<1x16xf32, #tpu.memory_space<hbm>>
      %dma_start3A_77 = tpu.memref_squeeze %dma_start3A_76 : memref<1x16xf32, #tpu.memory_space<hbm>> -> memref<16xf32, #tpu.memory_space<hbm>>
      %dma_start3A_78 = arith.constant 0 : i32
      %dma_start3A_79 = tpu.memref_slice %arg5[%arg1, %dma_start3A_78] : memref<16x16xf32, #tpu.memory_space<hbm>> -> memref<1x16xf32, #tpu.memory_space<hbm>>
      %dma_start3A_80 = tpu.memref_squeeze %dma_start3A_79 : memref<1x16xf32, #tpu.memory_space<hbm>> -> memref<16xf32, #tpu.memory_space<hbm>>
      tpu.enqueue_dma source(%arg9 : memref<16xf32, #tpu.memory_space<vmem>>) target(%dma_start3A_80 : memref<16xf32, #tpu.memory_space<hbm>>) target_semaphore(%run_scoped3A : memref<!tpu.dma_semaphore, #tpu.memory_space<semaphore_mem>>)
      %dma_wait3A_81 = arith.constant 0 : i32
      %dma_wait3A_82 = tpu.memref_slice %arg5[%arg1, %dma_wait3A_81] : memref<16x16xf32, #tpu.memory_space<hbm>> -> memref<1x16xf32, #tpu.memory_space<hbm>>
      %dma_wait3A_83 = tpu.memref_squeeze %dma_wait3A_82 : memref<1x16xf32, #tpu.memory_space<hbm>> -> memref<16xf32, #tpu.memory_space<hbm>>
      %dma_wait3A_84 = arith.constant 0 : i32
      %dma_wait3A_85 = tpu.memref_slice %arg5[%arg1, %dma_wait3A_84] : memref<16x16xf32, #tpu.memory_space<hbm>> -> memref<1x16xf32, #tpu.memory_space<hbm>>
      %dma_wait3A_86 = tpu.memref_squeeze %dma_wait3A_85 : memref<1x16xf32, #tpu.memory_space<hbm>> -> memref<16xf32, #tpu.memory_space<hbm>>
      tpu.wait_dma2 semaphore(%run_scoped3A : memref<!tpu.dma_semaphore, #tpu.memory_space<semaphore_mem>>) src(%arg9 : memref<16xf32, #tpu.memory_space<vmem>>) dst(%dma_wait3A_86 : memref<16xf32, #tpu.memory_space<hbm>>)
      tpu.yield
    }) : () -> ()
    %barrier3A = arith.constant 0 : index
    tpu.barrier barrier_id(%barrier3A)
    %eq3A = arith.constant 0 : i32
    %eq3A_73 = arith.cmpi eq, %arg1, %eq3A : i32
    %convert_element_type3A = arith.extui %eq3A_73 : i1 to i32
    %cond3A = arith.constant 0 : i32
    %cond3A_74 = arith.cmpi ne, %convert_element_type3A, %cond3A : i32
    scf.if %cond3A_74 {
      "tpu.region"() ({
        %run_scoped3A = tpu.sem_alloc : memref<!tpu.dma_semaphore, #tpu.memory_space<semaphore_mem>>
        tpu.enqueue_dma source(%arg5 : memref<16x16xf32, #tpu.memory_space<hbm>>) target(%arg10 : memref<16x16xf32, #tpu.memory_space<vmem>>) target_semaphore(%run_scoped3A : memref<!tpu.dma_semaphore, #tpu.memory_space<semaphore_mem>>)
        tpu.wait_dma2 semaphore(%run_scoped3A : memref<!tpu.dma_semaphore, #tpu.memory_space<semaphore_mem>>) src(%arg5 : memref<16x16xf32, #tpu.memory_space<hbm>>) dst(%arg10 : memref<16x16xf32, #tpu.memory_space<vmem>>)
        tpu.yield
      }) : () -> ()
      %broadcast_in_dim3A_75 = arith.constant 0.000000e+00 : f32
      %broadcast_in_dim3A_76 = vector.broadcast %broadcast_in_dim3A_75 : f32 to vector<16xf32>
      %get3A = arith.constant 0 : i32
      %get3A_77 = arith.index_cast %get3A : i32 to index
      %get3A_78 = arith.constant 0 : index
      %get3A_79 = tpu.vector_load %arg10[%get3A_77, %get3A_78] {strides = array<i32>} : memref<16x16xf32, #tpu.memory_space<vmem>>, vector<16xf32>,
      %add3A_80 = arith.addf %broadcast_in_dim3A_76, %get3A_79 : vector<16xf32>
      %get3A_81 = arith.constant 1 : i32
      %get3A_82 = arith.index_cast %get3A_81 : i32 to index
      %get3A_83 = arith.constant 0 : index
      %get3A_84 = tpu.vector_load %arg10[%get3A_82, %get3A_83] {strides = array<i32>} : memref<16x16xf32, #tpu.memory_space<vmem>>, vector<16xf32>,
      %add3A_85 = arith.addf %add3A_80, %get3A_84 : vector<16xf32>
      %get3A_86 = arith.constant 2 : i32
      %get3A_87 = arith.index_cast %get3A_86 : i32 to index
      %get3A_88 = arith.constant 0 : index
      %get3A_89 = tpu.vector_load %arg10[%get3A_87, %get3A_88] {strides = array<i32>} : memref<16x16xf32, #tpu.memory_space<vmem>>, vector<16xf32>,
      %add3A_90 = arith.addf %add3A_85, %get3A_89 : vector<16xf32>
      %get3A_91 = arith.constant 3 : i32
      %get3A_92 = arith.index_cast %get3A_91 : i32 to index
      %get3A_93 = arith.constant 0 : index
      %get3A_94 = tpu.vector_load %arg10[%get3A_92, %get3A_93] {strides = array<i32>} : memref<16x16xf32, #tpu.memory_space<vmem>>, vector<16xf32>,
      %add3A_95 = arith.addf %add3A_90, %get3A_94 : vector<16xf32>
      %get3A_96 = arith.constant 4 : i32
      %get3A_97 = arith.index_cast %get3A_96 : i32 to index
      %get3A_98 = arith.constant 0 : index
      %get3A_99 = tpu.vector_load %arg10[%get3A_97, %get3A_98] {strides = array<i32>} : memref<16x16xf32, #tpu.memory_space<vmem>>, vector<16xf32>,
      %add3A_100 = arith.addf %add3A_95, %get3A_99 : vector<16xf32>
      %get3A_101 = arith.constant 5 : i32
      %get3A_102 = arith.index_cast %get3A_101 : i32 to index
      %get3A_103 = arith.constant 0 : index
      %get3A_104 = tpu.vector_load %arg10[%get3A_102, %get3A_103] {strides = array<i32>} : memref<16x16xf32, #tpu.memory_space<vmem>>, vector<16xf32>,
      %add3A_105 = arith.addf %add3A_100, %get3A_104 : vector<16xf32>
      %get3A_106 = arith.constant 6 : i32
      %get3A_107 = arith.index_cast %get3A_106 : i32 to index
      %get3A_108 = arith.constant 0 : index
      %get3A_109 = tpu.vector_load %arg10[%get3A_107, %get3A_108] {strides = array<i32>} : memref<16x16xf32, #tpu.memory_space<vmem>>, vector<16xf32>,
      %add3A_110 = arith.addf %add3A_105, %get3A_109 : vector<16xf32>
      %get3A_111 = arith.constant 7 : i32
      %get3A_112 = arith.index_cast %get3A_111 : i32 to index
      %get3A_113 = arith.constant 0 : index
      %get3A_114 = tpu.vector_load %arg10[%get3A_112, %get3A_113] {strides = array<i32>} : memref<16x16xf32, #tpu.memory_space<vmem>>, vector<16xf32>,
      %add3A_115 = arith.addf %add3A_110, %get3A_114 : vector<16xf32>
      %get3A_116 = arith.constant 8 : i32
      %get3A_117 = arith.index_cast %get3A_116 : i32 to index
      %get3A_118 = arith.constant 0 : index
      %get3A_119 = tpu.vector_load %arg10[%get3A_117, %get3A_118] {strides = array<i32>} : memref<16x16xf32, #tpu.memory_space<vmem>>, vector<16xf32>,
      %add3A_120 = arith.addf %add3A_115, %get3A_119 : vector<16xf32>
      %get3A_121 = arith.constant 9 : i32
      %get3A_122 = arith.index_cast %get3A_121 : i32 to index
      %get3A_123 = arith.constant 0 : index
      %get3A_124 = tpu.vector_load %arg10[%get3A_122, %get3A_123] {strides = array<i32>} : memref<16x16xf32, #tpu.memory_space<vmem>>, vector<16xf32>,
      %add3A_125 = arith.addf %add3A_120, %get3A_124 : vector<16xf32>
      %get3A_126 = arith.constant 10 : i32
      %get3A_127 = arith.index_cast %get3A_126 : i32 to index
      %get3A_128 = arith.constant 0 : index
      %get3A_129 = tpu.vector_load %arg10[%get3A_127, %get3A_128] {strides = array<i32>} : memref<16x16xf32, #tpu.memory_space<vmem>>, vector<16xf32>,
      %add3A_130 = arith.addf %add3A_125, %get3A_129 : vector<16xf32>
      %get3A_131 = arith.constant 11 : i32
      %get3A_132 = arith.index_cast %get3A_131 : i32 to index
      %get3A_133 = arith.constant 0 : index
      %get3A_134 = tpu.vector_load %arg10[%get3A_132, %get3A_133] {strides = array<i32>} : memref<16x16xf32, #tpu.memory_space<vmem>>, vector<16xf32>,
      %add3A_135 = arith.addf %add3A_130, %get3A_134 : vector<16xf32>
      %get3A_136 = arith.constant 12 : i32
      %get3A_137 = arith.index_cast %get3A_136 : i32 to index
      %get3A_138 = arith.constant 0 : index
      %get3A_139 = tpu.vector_load %arg10[%get3A_137, %get3A_138] {strides = array<i32>} : memref<16x16xf32, #tpu.memory_space<vmem>>, vector<16xf32>,
      %add3A_140 = arith.addf %add3A_135, %get3A_139 : vector<16xf32>
      %get3A_141 = arith.constant 13 : i32
      %get3A_142 = arith.index_cast %get3A_141 : i32 to index
      %get3A_143 = arith.constant 0 : index
      %get3A_144 = tpu.vector_load %arg10[%get3A_142, %get3A_143] {strides = array<i32>} : memref<16x16xf32, #tpu.memory_space<vmem>>, vector<16xf32>,
      %add3A_145 = arith.addf %add3A_140, %get3A_144 : vector<16xf32>
      %get3A_146 = arith.constant 14 : i32
      %get3A_147 = arith.index_cast %get3A_146 : i32 to index
      %get3A_148 = arith.constant 0 : index
      %get3A_149 = tpu.vector_load %arg10[%get3A_147, %get3A_148] {strides = array<i32>} : memref<16x16xf32, #tpu.memory_space<vmem>>, vector<16xf32>,
      %add3A_150 = arith.addf %add3A_145, %get3A_149 : vector<16xf32>
      %get3A_151 = arith.constant 15 : i32
      %get3A_152 = arith.index_cast %get3A_151 : i32 to index
      %get3A_153 = arith.constant 0 : index
      %get3A_154 = tpu.vector_load %arg10[%get3A_152, %get3A_153] {strides = array<i32>} : memref<16x16xf32, #tpu.memory_space<vmem>>, vector<16xf32>,
      %add3A_155 = arith.addf %add3A_150, %get3A_154 : vector<16xf32>
      %xor3A = arith.constant 8 : i32
      %xor3A_156 = vector.broadcast %xor3A : i32 to vector<16xi32>
      %xor3A_157 = arith.xori %iota3A, %xor3A_156 : vector<16xi32>
      %broadcast_in_dim3A_158 = vector.shape_cast %xor3A_157 : vector<16xi32> to vector<16x1xi32>
      %gather3A_159 = vector.shape_cast %broadcast_in_dim3A_158 : vector<16x1xi32> to vector<16xi32>
      %gather3A_160 = tpu.dynamic_gather %add3A_155[%gather3A_159] in [0] : vector<16xf32>, vector<16xi32> -> vector<16xf32>
      %add3A_161 = arith.addf %add3A_155, %gather3A_160 : vector<16xf32>
      %xor3A_162 = arith.constant 4 : i32
      %xor3A_163 = vector.broadcast %xor3A_162 : i32 to vector<16xi32>
      %xor3A_164 = arith.xori %iota3A, %xor3A_163 : vector<16xi32>
      %broadcast_in_dim3A_165 = vector.shape_cast %xor3A_164 : vector<16xi32> to vector<16x1xi32>
      %gather3A_166 = vector.shape_cast %broadcast_in_dim3A_165 : vector<16x1xi32> to vector<16xi32>
      %gather3A_167 = tpu.dynamic_gather %add3A_161[%gather3A_166] in [0] : vector<16xf32>, vector<16xi32> -> vector<16xf32>
      %add3A_168 = arith.addf %add3A_161, %gather3A_167 : vector<16xf32>
      %xor3A_169 = arith.constant 2 : i32
      %xor3A_170 = vector.broadcast %xor3A_169 : i32 to vector<16xi32>
      %xor3A_171 = arith.xori %iota3A, %xor3A_170 : vector<16xi32>
      %broadcast_in_dim3A_172 = vector.shape_cast %xor3A_171 : vector<16xi32> to vector<16x1xi32>
      %gather3A_173 = vector.shape_cast %broadcast_in_dim3A_172 : vector<16x1xi32> to vector<16xi32>
      %gather3A_174 = tpu.dynamic_gather %add3A_168[%gather3A_173] in [0] : vector<16xf32>, vector<16xi32> -> vector<16xf32>
      %add3A_175 = arith.addf %add3A_168, %gather3A_174 : vector<16xf32>
      %xor3A_176 = arith.constant 1 : i32
      %xor3A_177 = vector.broadcast %xor3A_176 : i32 to vector<16xi32>
      %xor3A_178 = arith.xori %iota3A, %xor3A_177 : vector<16xi32>
      %broadcast_in_dim3A_179 = vector.shape_cast %xor3A_178 : vector<16xi32> to vector<16x1xi32>
      %gather3A_180 = vector.shape_cast %broadcast_in_dim3A_179 : vector<16x1xi32> to vector<16xi32>
      %gather3A_181 = tpu.dynamic_gather %add3A_175[%gather3A_180] in [0] : vector<16xf32>, vector<16xi32> -> vector<16xf32>
      %add3A_182 = arith.addf %add3A_175, %gather3A_181 : vector<16xf32>
      %mul3A_183 = arith.constant -2.44140625E-4 : f32
      %mul3A_184 = vector.broadcast %mul3A_183 : f32 to vector<16xf32>
      %mul3A_185 = arith.mulf %add3A_182, %mul3A_184 : vector<16xf32>
      %swap3A_186 = arith.constant 0 : index
      %swap3A_187 = tpu.vector_load %arg9[%swap3A_186] {strides = array<i32>} : memref<16xf32, #tpu.memory_space<vmem>>, vector<16xf32>,
      tpu.vector_store %arg9[%swap3A_186], %mul3A_185 {strides = array<i32>} : memref<16xf32, #tpu.memory_space<vmem>>, vector<16xf32>,
      "tpu.region"() ({
        %run_scoped3A = tpu.sem_alloc : memref<!tpu.dma_semaphore, #tpu.memory_space<semaphore_mem>>
        tpu.enqueue_dma source(%arg9 : memref<16xf32, #tpu.memory_space<vmem>>) target(%arg4 : memref<16xf32, #tpu.memory_space<hbm>>) target_semaphore(%run_scoped3A : memref<!tpu.dma_semaphore, #tpu.memory_space<semaphore_mem>>)
        tpu.wait_dma2 semaphore(%run_scoped3A : memref<!tpu.dma_semaphore, #tpu.memory_space<semaphore_mem>>) src(%arg9 : memref<16xf32, #tpu.memory_space<vmem>>) dst(%arg4 : memref<16xf32, #tpu.memory_space<hbm>>)
        tpu.yield
      }) : () -> ()
    } else {
    }
    return
  }
}

</mosaic_0001>

<sc_bundles>
// kernel: kernel.3.cloned.1.call-start
scs
__scs_entry_jumppad:
0x0: {  	(pc) =	sbr.rel $0x88, $3  }
0x1: {  	(tag) =	ssettag $0x0;
	lr =	simm.s32 $0x1  }
0x2: {  	[smem:$0x3F9F] =	sst lr;
	_ =	strace $0xD0000000  }
0x3: {  	_ = 	snop  }
0x4: {  	_ = 	snop  }
0x5: {  	_ = 	snop  }
0x6: {  	_ = 	snop  }
0x7: {  	_ = 	snop  }
__scs_overlays_trampoline_lowered:
0x8: {  	[smem:$0x3FAE] =	sst s0  }
0x9: {  	[smem:$0x3FAF] =	sst s1  }
0xa: {  	[smem:$0x3FB0] =	sst s2  }
0xb: {  	[smem:$0x3FB1] =	sst s3  }
0xc: {  	[smem:$0x3FB2] =	sst s4  }
0xd: {  	[smem:$0x3FB3] =	sst s5  }
0xe: {  	[smem:$0x3FB4] =	sst s6  }
0xf: {  	[smem:$0x3FB5] =	sst s7  }
0x10: {  	[smem:$0x3FB6] =	sst s8  }
0x11: {  	[smem:$0x3FB7] =	sst s9;
	s0 =	simm.s32 @!p0 $0x0  }
0x12: {  	s1 =	sld [smem:$0x3F9D];
	s0 =	simm.s32 @p0 $0x1  }
0x13: {  	[smem:$0x3FB8] =	sst s0;
	s0 =	simm.s32 @!p1 $0x0  }
0x14: {  	s2 =	sld [smem:$0x3F9C];
	s0 =	simm.s32 @p1 $0x1  }
0x15: {  	[smem:$0x3FB9] =	sst s0;
	s0 =	simm.s32 @!p2 $0x0  }
0x16: {  	s3 =	sld [smem:$0x3FDB];
	s0 =	simm.s32 @p2 $0x1  }
0x17: {  	s4 =	simm.s32 $0x1BF5;
	[smem:$0x3FBB] =	sst s0  }
0x18: {  	s0 =	sld [smem:$0x3F9E];
	_ =	swait.ge [sflag:s4], $0x0  }
0x19: {  	s7 =	sld [smem:$0x3F9F]  }
0x1a: {  	s8 =	sadd.s32 $0xFFFFE003, lr  }
0x1b: {  	s9 =	sadd.s32 $0xFFFFFEF7, lr;
	s5 =	simm.s32 $0xFFFFFFFF;
	p2 =	slt.u32 s8, $0xFFFFF086  }
0x1c: {  	p1 =	slt.u32 s9, $0xF7A;
	s5 =	simm.s32 @!p2 $0x0  }
0x1d: {  	s5 =	simm.s32 @p1 $0x1;
	p0 =	seq.s32 s7, s2  }
0x1e: {  	s7 =	smul.u32 @!p0 $0xF7A, s2;
	p2 =	seq.s32 @!p0 s5, $0x0  }
0x1f: {  	s9 =	smul.u32 $0xF7A, s1;
	s8 =	simm.s32 @!p0 $0x1BF5;
	p2 =	por !p2, p0  }
0x20: {  	[sflag:s8] =	ssyncset.s32 @!p0 $0xFFFFF086;
	s6 =	sadd.s32 @!p0 s3, s7;
	s7 =	simm.s32 @!p0 $0x108  }
0x21: {  	s3 =	sadd.s32 s3, s9;
	s6 =	sadd.s32 @!p0 $0x88, s6;
	s7 =	simm.s32 @p2 $0x1082  }
0x22: {  	[simem:s7], [sflag:s8] =	dma.local @!p0 [hbm:s6], $0xF7A  }
0x23: {  	s9 =	sor.u32 $0xD0000000, s2;
	s6 =	simm.s32 $0x108;
	_ =	swait.ge @!p0 [sflag:s8], $0x0  }
0x24: {  	s3 =	sadd.s32 $0x88, s3;
	s6 =	simm.s32 @!p1 $0x1082;
	[sflag:s4] =	ssyncset.s32 $0xFFFFF086  }
0x25: {  	[simem:s6], [sflag:s4] =	dma.local [hbm:s3], $0xF7A  }
0x26: {  	[smem:$0x3F9F] =	sst s1;
	(tag) =	ssettag s2;
	_ =	strace s9  }
0x27: {  	s1 =	sld [smem:$0x3FAF]  }
0x28: {  	s2 =	sld [smem:$0x3FB0]  }
0x29: {  	s4 =	sld [smem:$0x3FB2]  }
0x2a: {  	p0 =	seq.s32 s5, $0x0;
	s5 =	sld [smem:$0x3FB3]  }
0x2b: {  	s6 =	sld [smem:$0x3FB4]  }
0x2c: {  	s7 =	sld [smem:$0x3FB5]  }
0x2d: {  	s3 =	simm.s32 $0x108;
	s8 =	sld [smem:$0x3FB6]  }
0x2e: {  	s3 =	simm.s32 @!p0 $0x1082;
	s9 =	sld [smem:$0x3FB7]  }
0x2f: {  	lr =	sadd.s32 s0, s3;
	s0 =	sld [smem:$0x3FAE]  }
0x30: {  	s3 =	sld [smem:$0x3FB1]  }
0x31: {  	[smem:$0x3FBA] =	sst s10  }
0x32: {  	s10 =	sld [smem:$0x3FB8];
	_ =	sdelay $0x3  }
0x33: {  	p0 =	seq.s32 s10, $0x1;
	s10 =	sld [smem:$0x3FBA];
	_ =	sdelay $0x3  }
0x34: {  	[smem:$0x3FBA] =	sst s10  }
0x35: {  	s10 =	sld [smem:$0x3FB9];
	_ =	sdelay $0x3  }
0x36: {  	p1 =	seq.s32 s10, $0x1;
	s10 =	sld [smem:$0x3FBA];
	_ =	sdelay $0x3  }
0x37: {  	[smem:$0x3FBA] =	sst s10  }
0x38: {  	s10 =	sld [smem:$0x3FBB]  }
0x39: {  	_ = 	snop;
	(pc) =	sbr.ind lr, $3  }
0x3a: {  	_ = 	snop  }
0x3b: {  	_ = 	snop  }
0x3c: {  	p2 =	seq.s32 s10, $0x1;
	s10 =	sld [smem:$0x3FBA]  }
0x3d: {  	_ =	shalt  }
0x3e: {  	_ =	shalt  }
0x3f: {  	_ =	shalt  }
0x40: {  	_ =	shalt  }
0x41: {  	_ =	shalt  }
0x42: {  	_ =	shalt  }
0x43: {  	_ =	shalt  }
0x44: {  	_ =	shalt  }
0x45: {  	_ =	shalt  }
0x46: {  	_ =	shalt  }
0x47: {  	_ =	shalt  }
0x48: {  	_ =	shalt  }
0x49: {  	_ =	shalt  }
0x4a: {  	_ =	shalt  }
0x4b: {  	_ =	shalt  }
0x4c: {  	_ =	shalt  }
0x4d: {  	_ =	shalt  }
0x4e: {  	_ =	shalt  }
0x4f: {  	_ =	shalt  }
0x50: {  	_ =	shalt  }
0x51: {  	_ =	shalt  }
0x52: {  	_ =	shalt  }
0x53: {  	_ =	shalt  }
0x54: {  	_ =	shalt  }
0x55: {  	_ =	shalt  }
0x56: {  	_ =	shalt  }
0x57: {  	_ =	shalt  }
0x58: {  	_ =	shalt  }
0x59: {  	_ =	shalt  }
0x5a: {  	_ =	shalt  }
0x5b: {  	_ =	shalt  }
0x5c: {  	_ =	shalt  }
0x5d: {  	_ =	shalt  }
0x5e: {  	_ =	shalt  }
0x5f: {  	_ =	shalt  }
0x60: {  	_ =	shalt  }
0x61: {  	_ =	shalt  }
0x62: {  	_ =	shalt  }
0x63: {  	_ =	shalt  }
0x64: {  	_ =	shalt  }
0x65: {  	_ =	shalt  }
0x66: {  	_ =	shalt  }
0x67: {  	_ =	shalt  }
0x68: {  	_ =	shalt  }
0x69: {  	_ =	shalt  }
0x6a: {  	_ =	shalt  }
0x6b: {  	_ =	shalt  }
0x6c: {  	_ =	shalt  }
0x6d: {  	_ =	shalt  }
0x6e: {  	_ =	shalt  }
0x6f: {  	_ =	shalt  }
0x70: {  	_ =	shalt  }
0x71: {  	_ =	shalt  }
0x72: {  	_ =	shalt  }
0x73: {  	_ =	shalt  }
0x74: {  	_ =	shalt  }
0x75: {  	_ =	shalt  }
0x76: {  	_ =	shalt  }
0x77: {  	_ =	shalt  }
0x78: {  	_ =	shalt  }
0x79: {  	_ =	shalt  }
0x7a: {  	_ =	shalt  }
0x7b: {  	_ =	shalt  }
0x7c: {  	_ =	shalt  }
0x7d: {  	_ =	shalt  }
0x7e: {  	_ =	shalt  }
0x7f: {  	_ =	shalt  }
0x80: {  	_ =	shalt  }
0x81: {  	_ =	shalt  }
0x82: {  	_ =	shalt  }
0x83: {  	_ =	shalt  }
0x84: {  	_ =	shalt  }
0x85: {  	_ =	shalt  }
0x86: {  	_ =	shalt  }
0x87: {  	_ =	shalt  }
.Lfunc_end0:
.L_simem_size_0:
called_computation_lowered:
.L_overlay_start_0:
0x88: {  	s0 =	sld [smem:$0x3FD9]  }
0x89: {  	s1 =	sld [smem:$0x3FFE];
	_ =	sdelay $0x3  }
0x8a: {  	s0 =	sadd.s32 s1, s0  }
0x8b: {  	[smem:$0x3FC6] =	sst s0  }
0x8c: {  	_ = 	snop  }
0x8d: {  	s0 =	sld [smem:$0x3FC9]  }
0x8e: {  	s16 =	sld [smem:$0x3FC8]  }
0x8f: {  	s2 =	sld [smem:$0x3FD0];
	(tm) =	ssettm $0x1  }
0x90: {  	s3 =	sld [smem:$0x3FFB];
	_ =	sdelay $0x3  }
0x91: {  	_ =	strace s3  }
0x92: {  	s3 =	sld [smem:$0x3FFC];
	_ =	sdelay $0x3  }
0x93: {  	_ =	strace s3  }
0x94: {  	s3 =	sld [smem:$0x3FFD];
	_ =	sdelay $0x3  }
0x95: {  	_ =	strace s3  }
0x96: {  	_ =	strace $0x8FFFFFFF  }
0x97: {  	s17 =	sld [smem:$0x3FDB];
	_ =	sdelay $0x1  }
0x98: {  	s4 =	simm.s32 $_scs_section_size  }
0x99: {  	s5 =	simm.s32 $_size__tile_overlayer_lowered;
	s6 =	simm.s32 $_tile_overlayer_lowered  }
0x9a: {  	s20 =	simm.s32 $0x1BFF;
	s19 =	sshll.u32 s6, $0x1;
	s3 =	sadd.s32 s4, s17  }
0x9b: {  	s7 =	simm.s32 $0x0;
	s18 =	sshll.u32 s5, $0x1;
	s5 =	sadd.s32 s19, s3  }
0x9c: {  	[timem:s7], [sflag:s20] =	dma.local [hbm:s5], s18  }
0x9d: {  	_ =	swait.ge [sflag:s20], s18  }
0x9e: {  	s4 =	ssub.s32 $0x0, s18;
	[sflag:s20] =	ssyncset.done $0x0  }
0x9f: {  	[sflag:s20] =	ssyncadd.s32 s4;
	_ =	sdelay $0x1  }
0xa0: {  	s21 =	simm.s32 $0x1B8B  }
0xa1: {  	_ =	swait.ge [sflag:s21], $0x1  }
0xa2: {  	[sflag:s21] =	ssyncset.done $0x0  }
0xa3: {  	s23 =	simm.s32 $0x1B8E;
	s22 =	sld [smem:$0x3FFE];
	[sflag:s21] =	ssyncadd.s32 $0xFFFFFFFF  }
0xa4: {  	s24 =	simm.s32 $execute0_lowered;
	[smem:$0x3FD2] =	sst s23  }
0xa5: {  	s5 =	sshll.u32 s24, $0x1;
	_ =	strace $0x80000046;
	[dreg:$0x1] =	wrdreg $0xFFFFFFFF  }
0xa6: {  	s25 =	simm.s32 $_size_execute0_lowered;
	s3 =	sadd.s32 s3, s5;
	[dreg:$0x0] =	wrdreg $0x0  }
0xa7: {  	s5 =	sshll.u32 s25, $0x1;
	[dreg:$0x2] =	wrdreg s3  }
0xa8: {  	[dreg:$0x3] =	wrdreg s5  }
0xa9: {  	[dreg:$0x4] =	wrdreg $0xC0  }
0xaa: {  	_ =	task [dreg:s7], $0x5FFFF  }
0xab: {  	[dreg:$0x1] =	wrdreg $0xFFFFFFFF  }
0xac: {  	[dreg:$0x0] =	wrdreg $0x60  }
0xad: {  	[dreg:$0x2] =	wrdreg s0  }
0xae: {  	[dreg:$0x3] =	wrdreg s16  }
0xaf: {  	[dreg:$0x4] =	wrdreg s2  }
0xb0: {  	[dreg:$0x5] =	wrdreg s22  }
0xb1: {  	[dreg:$0x6] =	wrdreg $0x9  }
0xb2: {  	_ =	task.clear_ibuf [dreg:s7], $0x7FFFF;
	_ =	strace $0x90000046  }
0xb3: {  	s26 =	simm.s32 $0x9;
	_ =	strace $0x80000048  }
0xb4: {  	_ =	swait.ge [sflag:s26], $0x1  }
0xb5: {  	[sflag:s26] =	ssyncadd.s32 $0xFFFFFFFF  }
0xb6: {  	_ =	strace $0x90000048  }
0xb7: {  	_ =	sfence  }
0xb8: {  	s28 =	sld [smem:$0x0];
	_ =	sdelay $0x1  }
0xb9: {  	s29 =	srdreg.scid  }
0xba: {  	s30 =	sshll.u32 s29, $0xD;
	s31 =	sshrl.u32 s29, $0x2  }
0xbb: {  	s1 =	sand.u32 $0x1, s29;
	s2 =	sand.u32 $0x4000, s30;
	s0 =	sadd.s32 s31, s28  }
0xbc: {  	s1 =	sor.u32 s2, s1;
	s0 =	sshll.u32 s0, $0x11  }
0xbd: {  	s0 =	sor.u32 s0, s1  }
0xbe: {  	s0 =	sadd.s32 $0x8F2B, s0  }
0xbf: {  	[sflag:s0] =	ssyncadd.remote.s32 $0x1  }
0xc0: {  	_ =	sfence.sel $0xFFFF  }
0xc1: {  	[dreg:$0x0] =	wrdreg $0xFFFFFFFF;
	(pc) =	sbr.abs _section_cstart, $3  }
0xc2: {  	[dreg:$0x1] =	wrdreg $0xFFFFFFFF  }
0xc3: {  	_ =	task.clear_ibuf [dreg:s7], $0x2FFFF;
	_ =	strace $0x9FFFFFFF  }
0xc4: {  	(tm) =	ssettm $0x7FFFFFFF  }
0xc5: {  	_ =	shalt  }
tec
execute0_lowered:
.L_overlay_start_1:
0x0: {  	(tag) =	ssettag $0x1  }
0x1: {  	s6 =	rddreg [dreg:$0x0]  }
0x2: {  	s3 =	rddreg [dreg:$0x1]  }
0x3: {  	s1 =	rddreg [dreg:$0x2]  }
0x4: {  	s5 =	rddreg [dreg:$0x3];
	s2 =	simm.s32 $0x0;
	s4 =	stileid.u32  }
0x5: {  	[smem:$0x7FF] =	sst s2;
	s7 =	sshll.u32 s4, $0x5  }
0x6: {  	s0 =	rddreg [dreg:$0x4];
	_ =	strace $0x80000047;
	s3 =	sadd.s32 s3, s7  }
0x7: {  	[tilespmem:s2], [sflag:$0x2] =	stream.linear.gather [hbm4b:s3+s2], $0x100, $0x38;
	[tilespmem:$0x8980] =	vst v63  }
0x8: {  	s3 =	simm.s32 $0x2  }
0x9: {  	_ =	swait.ge [sflag:s3], $0x100  }
0xa: {  	[sflag:s3] =	ssyncset.done $0x0  }
0xb: {  	[sflag:s3] =	ssyncadd.s32 $0xFFFFFF00  }
0xc: {  	v0 =	vld [tilespmem:$0x0];
	_ =	sdelay $0x4  }
0xd: {  	v1 =	vshll.u32 v0, $0x5  }
0xe: {  	v0 =	vand.u32 $0x7, v0;
	v1 =	vand.u32 $0xFFFFFF00, v1  }
0xf: {  	v2 =	vimm.s32 $0x0;
	v18 =	vor.u32 v0, v1;
	v0 =	vlaneseq.u32  }
0x10: {  	v4 =	vperm.xlane v18, v2;
	v1 =	vmul.u32 $0x8, v0  }
0x11: {  	v3 =	vimm.s32 $0x1  }
0x12: {  	v5 =	vperm.xlane v18, v3;
	v6 =	vadd.s32 v1, v4  }
0x13: {  	v4 =	vimm.s32 $0x2  }
0x14: {  	v8 =	vadd.s32 v1, v5;
	v7 =	vperm.xlane v18, v4  }
0x15: {  	s11 =	sshll.u32 s4, $0x8;
	v5 =	vimm.s32 $0x3  }
0x16: {  	vm0 =	vmmov $0x1;
	s7 =	sadd.s32 s6, s11;
	s6 =	simm.s32 $0x100;
	v10 =	vperm.xlane v18, v5;
	v9 =	vadd.s32 v1, v7  }
0x17: {  	v7 =	vimm.s32 $0x4;
	[tilespmem:s6], [sflag:$0x1] =	stream.indirect_vreg.gather [hbm4b:s7+s2], $0x80, v6, vm0, $0xb8;
	[tilespmem:$0x8980] =	vst v63  }
0x18: {  	s8 =	simm.s32 $0x180;
	v10 =	vadd.s32 v1, v10;
	v11 =	vperm.xlane v18, v7  }
0x19: {  	v6 =	vimm.s32 $0x5;
	[tilespmem:s8], [sflag:$0x1] =	stream.indirect_vreg.gather [hbm4b:s7+s2], $0x80, v8, vm0, $0xb8;
	[tilespmem:$0x8980] =	vst v63  }
0x1a: {  	s12 =	simm.s32 $0x200;
	v11 =	vadd.s32 v1, v11;
	v48 =	vperm.xlane v18, v6  }
0x1b: {  	[tilespmem:s12], [sflag:$0x1] =	stream.indirect_vreg.gather [hbm4b:s7+s2], $0x80, v9, vm0, $0xb8;
	v9 =	vimm.s32 $0x6;
	[tilespmem:$0x8980] =	vst v63  }
0x1c: {  	s13 =	simm.s32 $0x280;
	v12 =	vadd.s32 v1, v48;
	v13 =	vperm.xlane v18, v9  }
0x1d: {  	v8 =	vimm.s32 $0x7;
	[tilespmem:s13], [sflag:$0x1] =	stream.indirect_vreg.gather [hbm4b:s7+s2], $0x80, v10, vm0, $0xb8;
	[tilespmem:$0x8980] =	vst v63  }
0x1e: {  	s14 =	simm.s32 $0x300;
	v14 =	vperm.xlane v18, v8;
	v13 =	vadd.s32 v1, v13  }
0x1f: {  	v10 =	vimm.s32 $0x8;
	[tilespmem:s14], [sflag:$0x1] =	stream.indirect_vreg.gather [hbm4b:s7+s2], $0x80, v11, vm0, $0xb8;
	[tilespmem:$0x8980] =	vst v63  }
0x20: {  	s15 =	simm.s32 $0x380;
	v14 =	vadd.s32 v1, v14;
	v15 =	vperm.xlane v18, v10  }
0x21: {  	v11 =	vimm.s32 $0x9;
	[tilespmem:s15], [sflag:$0x1] =	stream.indirect_vreg.gather [hbm4b:s7+s2], $0x80, v12, vm0, $0xb8;
	[tilespmem:$0x8980] =	vst v63  }
0x22: {  	s16 =	simm.s32 $0x400;
	v15 =	vadd.s32 v1, v15;
	v16 =	vperm.xlane v18, v11  }
0x23: {  	v12 =	vimm.s32 $0xA;
	[tilespmem:s16], [sflag:$0x1] =	stream.indirect_vreg.gather [hbm4b:s7+s2], $0x80, v13, vm0, $0xb8;
	[tilespmem:$0x8980] =	vst v63  }
0x24: {  	s17 =	simm.s32 $0x480;
	v16 =	vadd.s32 v1, v16;
	v17 =	vperm.xlane v18, v12  }
0x25: {  	v13 =	vimm.s32 $0xB;
	[tilespmem:s17], [sflag:$0x1] =	stream.indirect_vreg.gather [hbm4b:s7+s2], $0x80, v14, vm0, $0xb8;
	[tilespmem:$0x8980] =	vst v63  }
0x26: {  	s18 =	simm.s32 $0x500;
	v17 =	vadd.s32 v1, v17;
	v19 =	vperm.xlane v18, v13  }
0x27: {  	v14 =	vimm.s32 $0xC;
	[tilespmem:s18], [sflag:$0x1] =	stream.indirect_vreg.gather [hbm4b:s7+s2], $0x80, v15, vm0, $0xb8;
	[tilespmem:$0x8980] =	vst v63  }
0x28: {  	s19 =	simm.s32 $0x580;
	v19 =	vadd.s32 v1, v19;
	v20 =	vperm.xlane v18, v14  }
0x29: {  	v15 =	vimm.s32 $0xD;
	[tilespmem:s19], [sflag:$0x1] =	stream.indirect_vreg.gather [hbm4b:s7+s2], $0x80, v16, vm0, $0xb8;
	[tilespmem:$0x8980] =	vst v63  }
0x2a: {  	s20 =	simm.s32 $0x600;
	v20 =	vadd.s32 v1, v20;
	v21 =	vperm.xlane v18, v15  }
0x2b: {  	v16 =	vimm.s32 $0xE;
	[tilespmem:s20], [sflag:$0x1] =	stream.indirect_vreg.gather [hbm4b:s7+s2], $0x80, v17, vm0, $0xb8;
	[tilespmem:$0x8980] =	vst v63  }
0x2c: {  	s21 =	simm.s32 $0x680;
	v21 =	vadd.s32 v1, v21;
	v22 =	vperm.xlane v18, v16  }
0x2d: {  	v17 =	vimm.s32 $0xF;
	[tilespmem:s21], [sflag:$0x1] =	stream.indirect_vreg.gather [hbm4b:s7+s2], $0x80, v19, vm0, $0xb8;
	[tilespmem:$0x8980] =	vst v63  }
0x2e: {  	s22 =	simm.s32 $0x700;
	v49 =	vadd.s32 v1, v22;
	v18 =	vperm.xlane v18, v17  }
0x2f: {  	[tilespmem:s22], [sflag:$0x1] =	stream.indirect_vreg.gather [hbm4b:s7+s2], $0x80, v20, vm0, $0xb8;
	[tilespmem:$0x8980] =	vst v63  }
0x30: {  	s23 =	simm.s32 $0x780;
	v18 =	vadd.s32 v1, v18  }
0x31: {  	[tilespmem:s23], [sflag:$0x1] =	stream.indirect_vreg.gather [hbm4b:s7+s2], $0x80, v21, vm0, $0xb8;
	[tilespmem:$0x8980] =	vst v63  }
0x32: {  	s24 =	simm.s32 $0x800  }
0x33: {  	[tilespmem:s24], [sflag:$0x1] =	stream.indirect_vreg.gather [hbm4b:s7+s2], $0x80, v49, vm0, $0xb8;
	[tilespmem:$0x8980] =	vst v63  }
0x34: {  	s25 =	simm.s32 $0x880  }
0x35: {  	[tilespmem:s25], [sflag:$0x1] =	stream.indirect_vreg.gather [hbm4b:s7+s2], $0x80, v18, vm0, $0xb8;
	[tilespmem:$0x8980] =	vst v63  }
0x36: {  	v18 =	vld [tilespmem:$0x10];
	_ =	sdelay $0x4  }
0x37: {  	v50 =	vshll.u32 v18, $0x5  }
0x38: {  	v18 =	vand.u32 $0x7, v18;
	v19 =	vand.u32 $0xFFFFFF00, v50  }
0x39: {  	v18 =	vor.u32 v18, v19  }
0x3a: {  	v19 =	vperm.xlane v18, v2;
	_ =	sdelay $0x1  }
0x3b: {  	v51 =	vperm.xlane v18, v3;
	v19 =	vadd.s32 v1, v19;
	_ =	sdelay $0x1  }
0x3c: {  	v52 =	vperm.xlane v18, v4;
	v20 =	vadd.s32 v1, v51;
	_ =	sdelay $0x1  }
0x3d: {  	s26 =	simm.s32 $0x900;
	v53 =	vperm.xlane v18, v5;
	v21 =	vadd.s32 v1, v52  }
0x3e: {  	[tilespmem:s26], [sflag:$0x1] =	stream.indirect_vreg.gather [hbm4b:s7+s2], $0x80, v19, vm0, $0xb8;
	[tilespmem:$0x8980] =	vst v63  }
0x3f: {  	s28 =	simm.s32 $0x980;
	v55 =	vperm.xlane v18, v7;
	v54 =	vadd.s32 v1, v53  }
0x40: {  	[tilespmem:s28], [sflag:$0x1] =	stream.indirect_vreg.gather [hbm4b:s7+s2], $0x80, v20, vm0, $0xb8;
	[tilespmem:$0x8980] =	vst v63  }
0x41: {  	s29 =	simm.s32 $0xA00;
	v57 =	vperm.xlane v18, v6;
	v56 =	vadd.s32 v1, v55  }
0x42: {  	[tilespmem:s29], [sflag:$0x1] =	stream.indirect_vreg.gather [hbm4b:s7+s2], $0x80, v21, vm0, $0xb8;
	[tilespmem:$0x8980] =	vst v63  }
0x43: {  	s30 =	simm.s32 $0xA80;
	v59 =	vperm.xlane v18, v9;
	v58 =	vadd.s32 v1, v57  }
0x44: {  	[tilespmem:s30], [sflag:$0x1] =	stream.indirect_vreg.gather [hbm4b:s7+s2], $0x80, v54, vm0, $0xb8;
	[tilespmem:$0x8980] =	vst v63  }
0x45: {  	s31 =	simm.s32 $0xB00;
	v61 =	vperm.xlane v18, v8;
	v60 =	vadd.s32 v1, v59  }
0x46: {  	[tilespmem:s31], [sflag:$0x1] =	stream.indirect_vreg.gather [hbm4b:s7+s2], $0x80, v56, vm0, $0xb8;
	[tilespmem:$0x8980] =	vst v63  }
0x47: {  	s9 =	simm.s32 $0xB80;
	v63 =	vperm.xlane v18, v10;
	v62 =	vadd.s32 v1, v61  }
0x48: {  	[tilespmem:s9], [sflag:$0x1] =	stream.indirect_vreg.gather [hbm4b:s7+s2], $0x80, v58, vm0, $0xb8;
	[tilespmem:$0x8980] =	vst v63  }
0x49: {  	s10 =	simm.s32 $0xC00;
	v25 =	vperm.xlane v18, v11;
	v24 =	vadd.s32 v1, v63  }
0x4a: {  	[tilespmem:s10], [sflag:$0x1] =	stream.indirect_vreg.gather [hbm4b:s7+s2], $0x80, v60, vm0, $0xb8;
	[tilespmem:$0x8980] =	vst v63  }
0x4b: {  	s11 =	simm.s32 $0xC80;
	v27 =	vperm.xlane v18, v12;
	v26 =	vadd.s32 v1, v25  }
0x4c: {  	[tilespmem:s11], [sflag:$0x1] =	stream.indirect_vreg.gather [hbm4b:s7+s2], $0x80, v62, vm0, $0xb8;
	[tilespmem:$0x8980] =	vst v63  }
0x4d: {  	s12 =	simm.s32 $0xD00;
	v29 =	vperm.xlane v18, v13;
	v28 =	vadd.s32 v1, v27  }
0x4e: {  	[tilespmem:s12], [sflag:$0x1] =	stream.indirect_vreg.gather [hbm4b:s7+s2], $0x80, v24, vm0, $0xb8;
	[tilespmem:$0x8980] =	vst v63  }
0x4f: {  	s13 =	simm.s32 $0xD80;
	v31 =	vperm.xlane v18, v14;
	v30 =	vadd.s32 v1, v29  }
0x50: {  	[tilespmem:s13], [sflag:$0x1] =	stream.indirect_vreg.gather [hbm4b:s7+s2], $0x80, v26, vm0, $0xb8;
	[tilespmem:$0x8980] =	vst v63  }
0x51: {  	s14 =	simm.s32 $0xE00;
	v33 =	vperm.xlane v18, v15;
	v32 =	vadd.s32 v1, v31  }
0x52: {  	[tilespmem:s14], [sflag:$0x1] =	stream.indirect_vreg.gather [hbm4b:s7+s2], $0x80, v28, vm0, $0xb8;
	[tilespmem:$0x8980] =	vst v63  }
0x53: {  	s15 =	simm.s32 $0xE80;
	v35 =	vperm.xlane v18, v16;
	v34 =	vadd.s32 v1, v33  }
0x54: {  	[tilespmem:s15], [sflag:$0x1] =	stream.indirect_vreg.gather [hbm4b:s7+s2], $0x80, v30, vm0, $0xb8;
	[tilespmem:$0x8980] =	vst v63  }
0x55: {  	s16 =	simm.s32 $0xF00;
	v18 =	vperm.xlane v18, v17;
	v36 =	vadd.s32 v1, v35  }
0x56: {  	[tilespmem:s16], [sflag:$0x1] =	stream.indirect_vreg.gather [hbm4b:s7+s2], $0x80, v32, vm0, $0xb8;
	[tilespmem:$0x8980] =	vst v63  }
0x57: {  	s17 =	simm.s32 $0xF80;
	v18 =	vadd.s32 v1, v18  }
0x58: {  	[tilespmem:s17], [sflag:$0x1] =	stream.indirect_vreg.gather [hbm4b:s7+s2], $0x80, v34, vm0, $0xb8;
	[tilespmem:$0x8980] =	vst v63  }
0x59: {  	s18 =	simm.s32 $0x1000  }
0x5a: {  	[tilespmem:s18], [sflag:$0x1] =	stream.indirect_vreg.gather [hbm4b:s7+s2], $0x80, v36, vm0, $0xb8;
	[tilespmem:$0x8980] =	vst v63  }
0x5b: {  	s19 =	simm.s32 $0x1080  }
0x5c: {  	[tilespmem:s19], [sflag:$0x1] =	stream.indirect_vreg.gather [hbm4b:s7+s2], $0x80, v18, vm0, $0xb8;
	[tilespmem:$0x8980] =	vst v63  }
0x5d: {  	v18 =	vld [tilespmem:$0x20];
	_ =	sdelay $0x4  }
0x5e: {  	v37 =	vshll.u32 v18, $0x5  }
0x5f: {  	v18 =	vand.u32 $0x7, v18;
	v19 =	vand.u32 $0xFFFFFF00, v37  }
0x60: {  	v18 =	vor.u32 v18, v19  }
0x61: {  	v19 =	vperm.xlane v18, v2;
	_ =	sdelay $0x1  }
0x62: {  	v38 =	vperm.xlane v18, v3;
	v19 =	vadd.s32 v1, v19;
	_ =	sdelay $0x1  }
0x63: {  	v39 =	vperm.xlane v18, v4;
	v20 =	vadd.s32 v1, v38;
	_ =	sdelay $0x1  }
0x64: {  	s20 =	simm.s32 $0x1100;
	v40 =	vperm.xlane v18, v5;
	v21 =	vadd.s32 v1, v39  }
0x65: {  	[tilespmem:s20], [sflag:$0x1] =	stream.indirect_vreg.gather [hbm4b:s7+s2], $0x80, v19, vm0, $0xb8;
	[tilespmem:$0x8980] =	vst v63  }
0x66: {  	s21 =	simm.s32 $0x1180;
	v42 =	vperm.xlane v18, v7;
	v41 =	vadd.s32 v1, v40  }
0x67: {  	[tilespmem:s21], [sflag:$0x1] =	stream.indirect_vreg.gather [hbm4b:s7+s2], $0x80, v20, vm0, $0xb8;
	[tilespmem:$0x8980] =	vst v63  }
0x68: {  	s22 =	simm.s32 $0x1200;
	v44 =	vperm.xlane v18, v6;
	v43 =	vadd.s32 v1, v42  }
0x69: {  	[tilespmem:s22], [sflag:$0x1] =	stream.indirect_vreg.gather [hbm4b:s7+s2], $0x80, v21, vm0, $0xb8;
	[tilespmem:$0x8980] =	vst v63  }
0x6a: {  	s23 =	simm.s32 $0x1280;
	v46 =	vperm.xlane v18, v9;
	v45 =	vadd.s32 v1, v44  }
0x6b: {  	[tilespmem:s23], [sflag:$0x1] =	stream.indirect_vreg.gather [hbm4b:s7+s2], $0x80, v41, vm0, $0xb8;
	[tilespmem:$0x8980] =	vst v63  }
0x6c: {  	s24 =	simm.s32 $0x1300;
	v48 =	vperm.xlane v18, v8;
	v47 =	vadd.s32 v1, v46  }
0x6d: {  	[tilespmem:s24], [sflag:$0x1] =	stream.indirect_vreg.gather [hbm4b:s7+s2], $0x80, v43, vm0, $0xb8;
	[tilespmem:$0x8980] =	vst v63  }
0x6e: {  	s25 =	simm.s32 $0x1380;
	v50 =	vperm.xlane v18, v10;
	v49 =	vadd.s32 v1, v48  }
0x6f: {  	[tilespmem:s25], [sflag:$0x1] =	stream.indirect_vreg.gather [hbm4b:s7+s2], $0x80, v45, vm0, $0xb8;
	[tilespmem:$0x8980] =	vst v63  }
0x70: {  	s26 =	simm.s32 $0x1400;
	v52 =	vperm.xlane v18, v11;
	v51 =	vadd.s32 v1, v50  }
0x71: {  	[tilespmem:s26], [sflag:$0x1] =	stream.indirect_vreg.gather [hbm4b:s7+s2], $0x80, v47, vm0, $0xb8;
	[tilespmem:$0x8980] =	vst v63  }
0x72: {  	s28 =	simm.s32 $0x1480;
	v54 =	vperm.xlane v18, v12;
	v53 =	vadd.s32 v1, v52  }
0x73: {  	[tilespmem:s28], [sflag:$0x1] =	stream.indirect_vreg.gather [hbm4b:s7+s2], $0x80, v49, vm0, $0xb8;
	[tilespmem:$0x8980] =	vst v63  }
0x74: {  	s29 =	simm.s32 $0x1500;
	v56 =	vperm.xlane v18, v13;
	v55 =	vadd.s32 v1, v54  }
0x75: {  	[tilespmem:s29], [sflag:$0x1] =	stream.indirect_vreg.gather [hbm4b:s7+s2], $0x80, v51, vm0, $0xb8;
	[tilespmem:$0x8980] =	vst v63  }
0x76: {  	s30 =	simm.s32 $0x1580;
	v58 =	vperm.xlane v18, v14;
	v57 =	vadd.s32 v1, v56  }
0x77: {  	[tilespmem:s30], [sflag:$0x1] =	stream.indirect_vreg.gather [hbm4b:s7+s2], $0x80, v53, vm0, $0xb8;
	[tilespmem:$0x8980] =	vst v63  }
0x78: {  	s31 =	simm.s32 $0x1600;
	v60 =	vperm.xlane v18, v15;
	v59 =	vadd.s32 v1, v58  }
0x79: {  	[tilespmem:s31], [sflag:$0x1] =	stream.indirect_vreg.gather [hbm4b:s7+s2], $0x80, v55, vm0, $0xb8;
	[tilespmem:$0x8980] =	vst v63  }
0x7a: {  	s9 =	simm.s32 $0x1680;
	v62 =	vperm.xlane v18, v16;
	v61 =	vadd.s32 v1, v60  }
0x7b: {  	[tilespmem:s9], [sflag:$0x1] =	stream.indirect_vreg.gather [hbm4b:s7+s2], $0x80, v57, vm0, $0xb8;
	[tilespmem:$0x8980] =	vst v63  }
0x7c: {  	s10 =	simm.s32 $0x1700;
	v18 =	vperm.xlane v18, v17;
	v63 =	vadd.s32 v1, v62  }
0x7d: {  	[tilespmem:s10], [sflag:$0x1] =	stream.indirect_vreg.gather [hbm4b:s7+s2], $0x80, v59, vm0, $0xb8;
	[tilespmem:$0x8980] =	vst v63  }
0x7e: {  	s11 =	simm.s32 $0x1780;
	v18 =	vadd.s32 v1, v18  }
0x7f: {  	[tilespmem:s11], [sflag:$0x1] =	stream.indirect_vreg.gather [hbm4b:s7+s2], $0x80, v61, vm0, $0xb8;
	[tilespmem:$0x8980] =	vst v63  }
0x80: {  	s12 =	simm.s32 $0x1800  }
0x81: {  	[tilespmem:s12], [sflag:$0x1] =	stream.indirect_vreg.gather [hbm4b:s7+s2], $0x80, v63, vm0, $0xb8;
	[tilespmem:$0x8980] =	vst v63  }
0x82: {  	s13 =	simm.s32 $0x1880  }
0x83: {  	[tilespmem:s13], [sflag:$0x1] =	stream.indirect_vreg.gather [hbm4b:s7+s2], $0x80, v18, vm0, $0xb8;
	[tilespmem:$0x8980] =	vst v63  }
0x84: {  	v18 =	vld [tilespmem:$0x30];
	_ =	sdelay $0x4  }
0x85: {  	v23 =	vshll.u32 v18, $0x5  }
0x86: {  	v18 =	vand.u32 $0x7, v18;
	v19 =	vand.u32 $0xFFFFFF00, v23  }
0x87: {  	v18 =	vor.u32 v18, v19  }
0x88: {  	v19 =	vperm.xlane v18, v2;
	_ =	sdelay $0x1  }
0x89: {  	v24 =	vperm.xlane v18, v3;
	v19 =	vadd.s32 v1, v19;
	_ =	sdelay $0x1  }
0x8a: {  	v25 =	vperm.xlane v18, v4;
	v20 =	vadd.s32 v1, v24;
	_ =	sdelay $0x1  }
0x8b: {  	s14 =	simm.s32 $0x1900;
	v26 =	vperm.xlane v18, v5;
	v21 =	vadd.s32 v1, v25  }
0x8c: {  	[tilespmem:s14], [sflag:$0x1] =	stream.indirect_vreg.gather [hbm4b:s7+s2], $0x80, v19, vm0, $0xb8;
	[tilespmem:$0x8980] =	vst v63  }
0x8d: {  	s15 =	simm.s32 $0x1980;
	v28 =	vperm.xlane v18, v7;
	v27 =	vadd.s32 v1, v26  }
0x8e: {  	[tilespmem:s15], [sflag:$0x1] =	stream.indirect_vreg.gather [hbm4b:s7+s2], $0x80, v20, vm0, $0xb8;
	[tilespmem:$0x8980] =	vst v63  }
0x8f: {  	s16 =	simm.s32 $0x1A00;
	v30 =	vperm.xlane v18, v6;
	v29 =	vadd.s32 v1, v28  }
0x90: {  	[tilespmem:s16], [sflag:$0x1] =	stream.indirect_vreg.gather [hbm4b:s7+s2], $0x80, v21, vm0, $0xb8;
	[tilespmem:$0x8980] =	vst v63  }
0x91: {  	s17 =	simm.s32 $0x1A80;
	v32 =	vperm.xlane v18, v9;
	v31 =	vadd.s32 v1, v30  }
0x92: {  	[tilespmem:s17], [sflag:$0x1] =	stream.indirect_vreg.gather [hbm4b:s7+s2], $0x80, v27, vm0, $0xb8;
	[tilespmem:$0x8980] =	vst v63  }
0x93: {  	s18 =	simm.s32 $0x1B00;
	v34 =	vperm.xlane v18, v8;
	v33 =	vadd.s32 v1, v32  }
0x94: {  	[tilespmem:s18], [sflag:$0x1] =	stream.indirect_vreg.gather [hbm4b:s7+s2], $0x80, v29, vm0, $0xb8;
	[tilespmem:$0x8980] =	vst v63  }
0x95: {  	s19 =	simm.s32 $0x1B80;
	v36 =	vperm.xlane v18, v10;
	v35 =	vadd.s32 v1, v34  }
0x96: {  	[tilespmem:s19], [sflag:$0x1] =	stream.indirect_vreg.gather [hbm4b:s7+s2], $0x80, v31, vm0, $0xb8;
	[tilespmem:$0x8980] =	vst v63  }
0x97: {  	s20 =	simm.s32 $0x1C00;
	v38 =	vperm.xlane v18, v11;
	v37 =	vadd.s32 v1, v36  }
0x98: {  	[tilespmem:s20], [sflag:$0x1] =	stream.indirect_vreg.gather [hbm4b:s7+s2], $0x80, v33, vm0, $0xb8;
	[tilespmem:$0x8980] =	vst v63  }
0x99: {  	s21 =	simm.s32 $0x1C80;
	v40 =	vperm.xlane v18, v12;
	v39 =	vadd.s32 v1, v38  }
0x9a: {  	[tilespmem:s21], [sflag:$0x1] =	stream.indirect_vreg.gather [hbm4b:s7+s2], $0x80, v35, vm0, $0xb8;
	[tilespmem:$0x8980] =	vst v63  }
0x9b: {  	s22 =	simm.s32 $0x1D00;
	v42 =	vperm.xlane v18, v13;
	v41 =	vadd.s32 v1, v40  }
0x9c: {  	[tilespmem:s22], [sflag:$0x1] =	stream.indirect_vreg.gather [hbm4b:s7+s2], $0x80, v37, vm0, $0xb8;
	[tilespmem:$0x8980] =	vst v63  }
0x9d: {  	s23 =	simm.s32 $0x1D80;
	v44 =	vperm.xlane v18, v14;
	v43 =	vadd.s32 v1, v42  }
0x9e: {  	[tilespmem:s23], [sflag:$0x1] =	stream.indirect_vreg.gather [hbm4b:s7+s2], $0x80, v39, vm0, $0xb8;
	[tilespmem:$0x8980] =	vst v63  }
0x9f: {  	s24 =	simm.s32 $0x1E00;
	v46 =	vperm.xlane v18, v15;
	v45 =	vadd.s32 v1, v44  }
0xa0: {  	[tilespmem:s24], [sflag:$0x1] =	stream.indirect_vreg.gather [hbm4b:s7+s2], $0x80, v41, vm0, $0xb8;
	[tilespmem:$0x8980] =	vst v63  }
0xa1: {  	s25 =	simm.s32 $0x1E80;
	v48 =	vperm.xlane v18, v16;
	v47 =	vadd.s32 v1, v46  }
0xa2: {  	[tilespmem:s25], [sflag:$0x1] =	stream.indirect_vreg.gather [hbm4b:s7+s2], $0x80, v43, vm0, $0xb8;
	[tilespmem:$0x8980] =	vst v63  }
0xa3: {  	s26 =	simm.s32 $0x1F00;
	v18 =	vperm.xlane v18, v17;
	v49 =	vadd.s32 v1, v48  }
0xa4: {  	[tilespmem:s26], [sflag:$0x1] =	stream.indirect_vreg.gather [hbm4b:s7+s2], $0x80, v45, vm0, $0xb8;
	[tilespmem:$0x8980] =	vst v63  }
0xa5: {  	s28 =	simm.s32 $0x1F80;
	v18 =	vadd.s32 v1, v18  }
0xa6: {  	[tilespmem:s28], [sflag:$0x1] =	stream.indirect_vreg.gather [hbm4b:s7+s2], $0x80, v47, vm0, $0xb8;
	[tilespmem:$0x8980] =	vst v63  }
0xa7: {  	s29 =	simm.s32 $0x2000  }
0xa8: {  	[tilespmem:s29], [sflag:$0x1] =	stream.indirect_vreg.gather [hbm4b:s7+s2], $0x80, v49, vm0, $0xb8;
	[tilespmem:$0x8980] =	vst v63  }
0xa9: {  	s30 =	simm.s32 $0x2080  }
0xaa: {  	[tilespmem:s30], [sflag:$0x1] =	stream.indirect_vreg.gather [hbm4b:s7+s2], $0x80, v18, vm0, $0xb8;
	[tilespmem:$0x8980] =	vst v63  }
0xab: {  	v18 =	vld [tilespmem:$0x40];
	_ =	sdelay $0x4  }
0xac: {  	v50 =	vshll.u32 v18, $0x5  }
0xad: {  	v18 =	vand.u32 $0x7, v18;
	v19 =	vand.u32 $0xFFFFFF00, v50  }
0xae: {  	v18 =	vor.u32 v18, v19  }
0xaf: {  	v19 =	vperm.xlane v18, v2;
	_ =	sdelay $0x1  }
0xb0: {  	v51 =	vperm.xlane v18, v3;
	v19 =	vadd.s32 v1, v19;
	_ =	sdelay $0x1  }
0xb1: {  	v52 =	vperm.xlane v18, v4;
	v20 =	vadd.s32 v1, v51;
	_ =	sdelay $0x1  }
0xb2: {  	s31 =	simm.s32 $0x2100;
	v53 =	vperm.xlane v18, v5;
	v21 =	vadd.s32 v1, v52  }
0xb3: {  	[tilespmem:s31], [sflag:$0x1] =	stream.indirect_vreg.gather [hbm4b:s7+s2], $0x80, v19, vm0, $0xb8;
	[tilespmem:$0x8980] =	vst v63  }
0xb4: {  	s9 =	simm.s32 $0x2180;
	v55 =	vperm.xlane v18, v7;
	v54 =	vadd.s32 v1, v53  }
0xb5: {  	[tilespmem:s9], [sflag:$0x1] =	stream.indirect_vreg.gather [hbm4b:s7+s2], $0x80, v20, vm0, $0xb8;
	[tilespmem:$0x8980] =	vst v63  }
0xb6: {  	s10 =	simm.s32 $0x2200;
	v57 =	vperm.xlane v18, v6;
	v56 =	vadd.s32 v1, v55  }
0xb7: {  	[tilespmem:s10], [sflag:$0x1] =	stream.indirect_vreg.gather [hbm4b:s7+s2], $0x80, v21, vm0, $0xb8;
	[tilespmem:$0x8980] =	vst v63  }
0xb8: {  	s11 =	simm.s32 $0x2280;
	v59 =	vperm.xlane v18, v9;
	v58 =	vadd.s32 v1, v57  }
0xb9: {  	[tilespmem:s11], [sflag:$0x1] =	stream.indirect_vreg.gather [hbm4b:s7+s2], $0x80, v54, vm0, $0xb8;
	[tilespmem:$0x8980] =	vst v63  }
0xba: {  	s12 =	simm.s32 $0x2300;
	v61 =	vperm.xlane v18, v8;
	v60 =	vadd.s32 v1, v59  }
0xbb: {  	[tilespmem:s12], [sflag:$0x1] =	stream.indirect_vreg.gather [hbm4b:s7+s2], $0x80, v56, vm0, $0xb8;
	[tilespmem:$0x8980] =	vst v63  }
0xbc: {  	s13 =	simm.s32 $0x2380;
	v63 =	vperm.xlane v18, v10;
	v62 =	vadd.s32 v1, v61  }
0xbd: {  	[tilespmem:s13], [sflag:$0x1] =	stream.indirect_vreg.gather [hbm4b:s7+s2], $0x80, v58, vm0, $0xb8;
	[tilespmem:$0x8980] =	vst v63  }
0xbe: {  	s14 =	simm.s32 $0x2400;
	v25 =	vperm.xlane v18, v11;
	v24 =	vadd.s32 v1, v63  }
0xbf: {  	[tilespmem:s14], [sflag:$0x1] =	stream.indirect_vreg.gather [hbm4b:s7+s2], $0x80, v60, vm0, $0xb8;
	[tilespmem:$0x8980] =	vst v63  }
0xc0: {  	s15 =	simm.s32 $0x2480;
	v27 =	vperm.xlane v18, v12;
	v26 =	vadd.s32 v1, v25  }
0xc1: {  	[tilespmem:s15], [sflag:$0x1] =	stream.indirect_vreg.gather [hbm4b:s7+s2], $0x80, v62, vm0, $0xb8;
	[tilespmem:$0x8980] =	vst v63  }
0xc2: {  	s16 =	simm.s32 $0x2500;
	v29 =	vperm.xlane v18, v13;
	v28 =	vadd.s32 v1, v27  }
0xc3: {  	[tilespmem:s16], [sflag:$0x1] =	stream.indirect_vreg.gather [hbm4b:s7+s2], $0x80, v24, vm0, $0xb8;
	[tilespmem:$0x8980] =	vst v63  }
0xc4: {  	s17 =	simm.s32 $0x2580;
	v31 =	vperm.xlane v18, v14;
	v30 =	vadd.s32 v1, v29  }
0xc5: {  	[tilespmem:s17], [sflag:$0x1] =	stream.indirect_vreg.gather [hbm4b:s7+s2], $0x80, v26, vm0, $0xb8;
	[tilespmem:$0x8980] =	vst v63  }
0xc6: {  	s18 =	simm.s32 $0x2600;
	v33 =	vperm.xlane v18, v15;
	v32 =	vadd.s32 v1, v31  }
0xc7: {  	[tilespmem:s18], [sflag:$0x1] =	stream.indirect_vreg.gather [hbm4b:s7+s2], $0x80, v28, vm0, $0xb8;
	[tilespmem:$0x8980] =	vst v63  }
0xc8: {  	s19 =	simm.s32 $0x2680;
	v35 =	vperm.xlane v18, v16;
	v34 =	vadd.s32 v1, v33  }
0xc9: {  	[tilespmem:s19], [sflag:$0x1] =	stream.indirect_vreg.gather [hbm4b:s7+s2], $0x80, v30, vm0, $0xb8;
	[tilespmem:$0x8980] =	vst v63  }
0xca: {  	s20 =	simm.s32 $0x2700;
	v18 =	vperm.xlane v18, v17;
	v36 =	vadd.s32 v1, v35  }
0xcb: {  	[tilespmem:s20], [sflag:$0x1] =	stream.indirect_vreg.gather [hbm4b:s7+s2], $0x80, v32, vm0, $0xb8;
	[tilespmem:$0x8980] =	vst v63  }
0xcc: {  	s21 =	simm.s32 $0x2780;
	v18 =	vadd.s32 v1, v18  }
0xcd: {  	[tilespmem:s21], [sflag:$0x1] =	stream.indirect_vreg.gather [hbm4b:s7+s2], $0x80, v34, vm0, $0xb8;
	[tilespmem:$0x8980] =	vst v63  }
0xce: {  	s22 =	simm.s32 $0x2800  }
0xcf: {  	[tilespmem:s22], [sflag:$0x1] =	stream.indirect_vreg.gather [hbm4b:s7+s2], $0x80, v36, vm0, $0xb8;
	[tilespmem:$0x8980] =	vst v63  }
0xd0: {  	s23 =	simm.s32 $0x2880  }
0xd1: {  	[tilespmem:s23], [sflag:$0x1] =	stream.indirect_vreg.gather [hbm4b:s7+s2], $0x80, v18, vm0, $0xb8;
	[tilespmem:$0x8980] =	vst v63  }
0xd2: {  	v18 =	vld [tilespmem:$0x50];
	_ =	sdelay $0x4  }
0xd3: {  	v37 =	vshll.u32 v18, $0x5  }
0xd4: {  	v18 =	vand.u32 $0x7, v18;
	v19 =	vand.u32 $0xFFFFFF00, v37  }
0xd5: {  	v18 =	vor.u32 v18, v19  }
0xd6: {  	v19 =	vperm.xlane v18, v2;
	_ =	sdelay $0x1  }
0xd7: {  	v38 =	vperm.xlane v18, v3;
	v19 =	vadd.s32 v1, v19;
	_ =	sdelay $0x1  }
0xd8: {  	v39 =	vperm.xlane v18, v4;
	v20 =	vadd.s32 v1, v38;
	_ =	sdelay $0x1  }
0xd9: {  	s24 =	simm.s32 $0x2900;
	v40 =	vperm.xlane v18, v5;
	v21 =	vadd.s32 v1, v39  }
0xda: {  	[tilespmem:s24], [sflag:$0x1] =	stream.indirect_vreg.gather [hbm4b:s7+s2], $0x80, v19, vm0, $0xb8;
	[tilespmem:$0x8980] =	vst v63  }
0xdb: {  	s25 =	simm.s32 $0x2980;
	v42 =	vperm.xlane v18, v7;
	v41 =	vadd.s32 v1, v40  }
0xdc: {  	[tilespmem:s25], [sflag:$0x1] =	stream.indirect_vreg.gather [hbm4b:s7+s2], $0x80, v20, vm0, $0xb8;
	[tilespmem:$0x8980] =	vst v63  }
0xdd: {  	s26 =	simm.s32 $0x2A00;
	v44 =	vperm.xlane v18, v6;
	v43 =	vadd.s32 v1, v42  }
0xde: {  	[tilespmem:s26], [sflag:$0x1] =	stream.indirect_vreg.gather [hbm4b:s7+s2], $0x80, v21, vm0, $0xb8;
	[tilespmem:$0x8980] =	vst v63  }
0xdf: {  	s28 =	simm.s32 $0x2A80;
	v46 =	vperm.xlane v18, v9;
	v45 =	vadd.s32 v1, v44  }
0xe0: {  	[tilespmem:s28], [sflag:$0x1] =	stream.indirect_vreg.gather [hbm4b:s7+s2], $0x80, v41, vm0, $0xb8;
	[tilespmem:$0x8980] =	vst v63  }
0xe1: {  	s29 =	simm.s32 $0x2B00;
	v48 =	vperm.xlane v18, v8;
	v47 =	vadd.s32 v1, v46  }
0xe2: {  	[tilespmem:s29], [sflag:$0x1] =	stream.indirect_vreg.gather [hbm4b:s7+s2], $0x80, v43, vm0, $0xb8;
	[tilespmem:$0x8980] =	vst v63  }
0xe3: {  	s30 =	simm.s32 $0x2B80;
	v50 =	vperm.xlane v18, v10;
	v49 =	vadd.s32 v1, v48  }
0xe4: {  	[tilespmem:s30], [sflag:$0x1] =	stream.indirect_vreg.gather [hbm4b:s7+s2], $0x80, v45, vm0, $0xb8;
	[tilespmem:$0x8980] =	vst v63  }
0xe5: {  	s31 =	simm.s32 $0x2C00;
	v52 =	vperm.xlane v18, v11;
	v51 =	vadd.s32 v1, v50  }
0xe6: {  	[tilespmem:s31], [sflag:$0x1] =	stream.indirect_vreg.gather [hbm4b:s7+s2], $0x80, v47, vm0, $0xb8;
	[tilespmem:$0x8980] =	vst v63  }
0xe7: {  	s9 =	simm.s32 $0x2C80;
	v54 =	vperm.xlane v18, v12;
	v53 =	vadd.s32 v1, v52  }
0xe8: {  	[tilespmem:s9], [sflag:$0x1] =	stream.indirect_vreg.gather [hbm4b:s7+s2], $0x80, v49, vm0, $0xb8;
	[tilespmem:$0x8980] =	vst v63  }
0xe9: {  	s10 =	simm.s32 $0x2D00;
	v56 =	vperm.xlane v18, v13;
	v55 =	vadd.s32 v1, v54  }
0xea: {  	[tilespmem:s10], [sflag:$0x1] =	stream.indirect_vreg.gather [hbm4b:s7+s2], $0x80, v51, vm0, $0xb8;
	[tilespmem:$0x8980] =	vst v63  }
0xeb: {  	s11 =	simm.s32 $0x2D80;
	v58 =	vperm.xlane v18, v14;
	v57 =	vadd.s32 v1, v56  }
0xec: {  	[tilespmem:s11], [sflag:$0x1] =	stream.indirect_vreg.gather [hbm4b:s7+s2], $0x80, v53, vm0, $0xb8;
	[tilespmem:$0x8980] =	vst v63  }
0xed: {  	s12 =	simm.s32 $0x2E00;
	v60 =	vperm.xlane v18, v15;
	v59 =	vadd.s32 v1, v58  }
0xee: {  	[tilespmem:s12], [sflag:$0x1] =	stream.indirect_vreg.gather [hbm4b:s7+s2], $0x80, v55, vm0, $0xb8;
	[tilespmem:$0x8980] =	vst v63  }
0xef: {  	s13 =	simm.s32 $0x2E80;
	v62 =	vperm.xlane v18, v16;
	v61 =	vadd.s32 v1, v60  }
0xf0: {  	[tilespmem:s13], [sflag:$0x1] =	stream.indirect_vreg.gather [hbm4b:s7+s2], $0x80, v57, vm0, $0xb8;
	[tilespmem:$0x8980] =	vst v63  }
0xf1: {  	s14 =	simm.s32 $0x2F00;
	v18 =	vperm.xlane v18, v17;
	v63 =	vadd.s32 v1, v62  }
0xf2: {  	[tilespmem:s14], [sflag:$0x1] =	stream.indirect_vreg.gather [hbm4b:s7+s2], $0x80, v59, vm0, $0xb8;
	[tilespmem:$0x8980] =	vst v63  }
0xf3: {  	s15 =	simm.s32 $0x2F80;
	v18 =	vadd.s32 v1, v18  }
0xf4: {  	[tilespmem:s15], [sflag:$0x1] =	stream.indirect_vreg.gather [hbm4b:s7+s2], $0x80, v61, vm0, $0xb8;
	[tilespmem:$0x8980] =	vst v63  }
0xf5: {  	s16 =	simm.s32 $0x3000  }
0xf6: {  	[tilespmem:s16], [sflag:$0x1] =	stream.indirect_vreg.gather [hbm4b:s7+s2], $0x80, v63, vm0, $0xb8;
	[tilespmem:$0x8980] =	vst v63  }
0xf7: {  	s17 =	simm.s32 $0x3080  }
0xf8: {  	[tilespmem:s17], [sflag:$0x1] =	stream.indirect_vreg.gather [hbm4b:s7+s2], $0x80, v18, vm0, $0xb8;
	[tilespmem:$0x8980] =	vst v63  }
0xf9: {  	v18 =	vld [tilespmem:$0x60];
	_ =	sdelay $0x4  }
0xfa: {  	v23 =	vshll.u32 v18, $0x5  }
0xfb: {  	v18 =	vand.u32 $0x7, v18;
	v19 =	vand.u32 $0xFFFFFF00, v23  }
0xfc: {  	v18 =	vor.u32 v18, v19  }
0xfd: {  	v19 =	vperm.xlane v18, v2;
	_ =	sdelay $0x1  }
0xfe: {  	v24 =	vperm.xlane v18, v3;
	v19 =	vadd.s32 v1, v19;
	_ =	sdelay $0x1  }
0xff: {  	v25 =	vperm.xlane v18, v4;
	v20 =	vadd.s32 v1, v24;
	_ =	sdelay $0x1  }
0x100: {  	s18 =	simm.s32 $0x3100;
	v26 =	vperm.xlane v18, v5;
	v21 =	vadd.s32 v1, v25  }
0x101: {  	[tilespmem:s18], [sflag:$0x1] =	stream.indirect_vreg.gather [hbm4b:s7+s2], $0x80, v19, vm0, $0xb8;
	[tilespmem:$0x8980] =	vst v63  }
0x102: {  	s19 =	simm.s32 $0x3180;
	v28 =	vperm.xlane v18, v7;
	v27 =	vadd.s32 v1, v26  }
0x103: {  	[tilespmem:s19], [sflag:$0x1] =	stream.indirect_vreg.gather [hbm4b:s7+s2], $0x80, v20, vm0, $0xb8;
	[tilespmem:$0x8980] =	vst v63  }
0x104: {  	s20 =	simm.s32 $0x3200;
	v30 =	vperm.xlane v18, v6;
	v29 =	vadd.s32 v1, v28  }
0x105: {  	[tilespmem:s20], [sflag:$0x1] =	stream.indirect_vreg.gather [hbm4b:s7+s2], $0x80, v21, vm0, $0xb8;
	[tilespmem:$0x8980] =	vst v63  }
0x106: {  	s21 =	simm.s32 $0x3280;
	v32 =	vperm.xlane v18, v9;
	v31 =	vadd.s32 v1, v30  }
0x107: {  	[tilespmem:s21], [sflag:$0x1] =	stream.indirect_vreg.gather [hbm4b:s7+s2], $0x80, v27, vm0, $0xb8;
	[tilespmem:$0x8980] =	vst v63  }
0x108: {  	s22 =	simm.s32 $0x3300;
	v34 =	vperm.xlane v18, v8;
	v33 =	vadd.s32 v1, v32  }
0x109: {  	[tilespmem:s22], [sflag:$0x1] =	stream.indirect_vreg.gather [hbm4b:s7+s2], $0x80, v29, vm0, $0xb8;
	[tilespmem:$0x8980] =	vst v63  }
0x10a: {  	s23 =	simm.s32 $0x3380;
	v36 =	vperm.xlane v18, v10;
	v35 =	vadd.s32 v1, v34  }
0x10b: {  	[tilespmem:s23], [sflag:$0x1] =	stream.indirect_vreg.gather [hbm4b:s7+s2], $0x80, v31, vm0, $0xb8;
	[tilespmem:$0x8980] =	vst v63  }
0x10c: {  	s24 =	simm.s32 $0x3400;
	v38 =	vperm.xlane v18, v11;
	v37 =	vadd.s32 v1, v36  }
0x10d: {  	[tilespmem:s24], [sflag:$0x1] =	stream.indirect_vreg.gather [hbm4b:s7+s2], $0x80, v33, vm0, $0xb8;
	[tilespmem:$0x8980] =	vst v63  }
0x10e: {  	s25 =	simm.s32 $0x3480;
	v40 =	vperm.xlane v18, v12;
	v39 =	vadd.s32 v1, v38  }
0x10f: {  	[tilespmem:s25], [sflag:$0x1] =	stream.indirect_vreg.gather [hbm4b:s7+s2], $0x80, v35, vm0, $0xb8;
	[tilespmem:$0x8980] =	vst v63  }
0x110: {  	s26 =	simm.s32 $0x3500;
	v42 =	vperm.xlane v18, v13;
	v41 =	vadd.s32 v1, v40  }
0x111: {  	[tilespmem:s26], [sflag:$0x1] =	stream.indirect_vreg.gather [hbm4b:s7+s2], $0x80, v37, vm0, $0xb8;
	[tilespmem:$0x8980] =	vst v63  }
0x112: {  	s28 =	simm.s32 $0x3580;
	v44 =	vperm.xlane v18, v14;
	v43 =	vadd.s32 v1, v42  }
0x113: {  	[tilespmem:s28], [sflag:$0x1] =	stream.indirect_vreg.gather [hbm4b:s7+s2], $0x80, v39, vm0, $0xb8;
	[tilespmem:$0x8980] =	vst v63  }
0x114: {  	s29 =	simm.s32 $0x3600;
	v46 =	vperm.xlane v18, v15;
	v45 =	vadd.s32 v1, v44  }
0x115: {  	[tilespmem:s29], [sflag:$0x1] =	stream.indirect_vreg.gather [hbm4b:s7+s2], $0x80, v41, vm0, $0xb8;
	[tilespmem:$0x8980] =	vst v63  }
0x116: {  	s30 =	simm.s32 $0x3680;
	v48 =	vperm.xlane v18, v16;
	v47 =	vadd.s32 v1, v46  }
0x117: {  	[tilespmem:s30], [sflag:$0x1] =	stream.indirect_vreg.gather [hbm4b:s7+s2], $0x80, v43, vm0, $0xb8;
	[tilespmem:$0x8980] =	vst v63  }
0x118: {  	s31 =	simm.s32 $0x3700;
	v18 =	vperm.xlane v18, v17;
	v49 =	vadd.s32 v1, v48  }
0x119: {  	[tilespmem:s31], [sflag:$0x1] =	stream.indirect_vreg.gather [hbm4b:s7+s2], $0x80, v45, vm0, $0xb8;
	[tilespmem:$0x8980] =	vst v63  }
0x11a: {  	s9 =	simm.s32 $0x3780;
	v18 =	vadd.s32 v1, v18  }
0x11b: {  	[tilespmem:s9], [sflag:$0x1] =	stream.indirect_vreg.gather [hbm4b:s7+s2], $0x80, v47, vm0, $0xb8;
	[tilespmem:$0x8980] =	vst v63  }
0x11c: {  	s10 =	simm.s32 $0x3800  }
0x11d: {  	[tilespmem:s10], [sflag:$0x1] =	stream.indirect_vreg.gather [hbm4b:s7+s2], $0x80, v49, vm0, $0xb8;
	[tilespmem:$0x8980] =	vst v63  }
0x11e: {  	s11 =	simm.s32 $0x3880  }
0x11f: {  	[tilespmem:s11], [sflag:$0x1] =	stream.indirect_vreg.gather [hbm4b:s7+s2], $0x80, v18, vm0, $0xb8;
	[tilespmem:$0x8980] =	vst v63  }
0x120: {  	v18 =	vld [tilespmem:$0x70];
	_ =	sdelay $0x4  }
0x121: {  	v50 =	vshll.u32 v18, $0x5  }
0x122: {  	v18 =	vand.u32 $0x7, v18;
	v19 =	vand.u32 $0xFFFFFF00, v50  }
0x123: {  	v18 =	vor.u32 v18, v19  }
0x124: {  	v19 =	vperm.xlane v18, v2;
	_ =	sdelay $0x1  }
0x125: {  	v51 =	vperm.xlane v18, v3;
	v19 =	vadd.s32 v1, v19;
	_ =	sdelay $0x1  }
0x126: {  	v52 =	vperm.xlane v18, v4;
	v20 =	vadd.s32 v1, v51;
	_ =	sdelay $0x1  }
0x127: {  	s12 =	simm.s32 $0x3900;
	v53 =	vperm.xlane v18, v5;
	v21 =	vadd.s32 v1, v52  }
0x128: {  	[tilespmem:s12], [sflag:$0x1] =	stream.indirect_vreg.gather [hbm4b:s7+s2], $0x80, v19, vm0, $0xb8;
	[tilespmem:$0x8980] =	vst v63  }
0x129: {  	s13 =	simm.s32 $0x3980;
	v55 =	vperm.xlane v18, v7;
	v54 =	vadd.s32 v1, v53  }
0x12a: {  	[tilespmem:s13], [sflag:$0x1] =	stream.indirect_vreg.gather [hbm4b:s7+s2], $0x80, v20, vm0, $0xb8;
	[tilespmem:$0x8980] =	vst v63  }
0x12b: {  	s14 =	simm.s32 $0x3A00;
	v57 =	vperm.xlane v18, v6;
	v56 =	vadd.s32 v1, v55  }
0x12c: {  	[tilespmem:s14], [sflag:$0x1] =	stream.indirect_vreg.gather [hbm4b:s7+s2], $0x80, v21, vm0, $0xb8;
	[tilespmem:$0x8980] =	vst v63  }
0x12d: {  	s15 =	simm.s32 $0x3A80;
	v59 =	vperm.xlane v18, v9;
	v58 =	vadd.s32 v1, v57  }
0x12e: {  	[tilespmem:s15], [sflag:$0x1] =	stream.indirect_vreg.gather [hbm4b:s7+s2], $0x80, v54, vm0, $0xb8;
	[tilespmem:$0x8980] =	vst v63  }
0x12f: {  	s16 =	simm.s32 $0x3B00;
	v61 =	vperm.xlane v18, v8;
	v60 =	vadd.s32 v1, v59  }
0x130: {  	[tilespmem:s16], [sflag:$0x1] =	stream.indirect_vreg.gather [hbm4b:s7+s2], $0x80, v56, vm0, $0xb8;
	[tilespmem:$0x8980] =	vst v63  }
0x131: {  	s17 =	simm.s32 $0x3B80;
	v63 =	vperm.xlane v18, v10;
	v62 =	vadd.s32 v1, v61  }
0x132: {  	[tilespmem:s17], [sflag:$0x1] =	stream.indirect_vreg.gather [hbm4b:s7+s2], $0x80, v58, vm0, $0xb8;
	[tilespmem:$0x8980] =	vst v63  }
0x133: {  	s18 =	simm.s32 $0x3C00;
	v25 =	vperm.xlane v18, v11;
	v24 =	vadd.s32 v1, v63  }
0x134: {  	[tilespmem:s18], [sflag:$0x1] =	stream.indirect_vreg.gather [hbm4b:s7+s2], $0x80, v60, vm0, $0xb8;
	[tilespmem:$0x8980] =	vst v63  }
0x135: {  	s19 =	simm.s32 $0x3C80;
	v27 =	vperm.xlane v18, v12;
	v26 =	vadd.s32 v1, v25  }
0x136: {  	[tilespmem:s19], [sflag:$0x1] =	stream.indirect_vreg.gather [hbm4b:s7+s2], $0x80, v62, vm0, $0xb8;
	[tilespmem:$0x8980] =	vst v63  }
0x137: {  	s20 =	simm.s32 $0x3D00;
	v29 =	vperm.xlane v18, v13;
	v28 =	vadd.s32 v1, v27  }
0x138: {  	[tilespmem:s20], [sflag:$0x1] =	stream.indirect_vreg.gather [hbm4b:s7+s2], $0x80, v24, vm0, $0xb8;
	[tilespmem:$0x8980] =	vst v63  }
0x139: {  	s21 =	simm.s32 $0x3D80;
	v31 =	vperm.xlane v18, v14;
	v30 =	vadd.s32 v1, v29  }
0x13a: {  	[tilespmem:s21], [sflag:$0x1] =	stream.indirect_vreg.gather [hbm4b:s7+s2], $0x80, v26, vm0, $0xb8;
	[tilespmem:$0x8980] =	vst v63  }
0x13b: {  	s22 =	simm.s32 $0x3E00;
	v33 =	vperm.xlane v18, v15;
	v32 =	vadd.s32 v1, v31  }
0x13c: {  	[tilespmem:s22], [sflag:$0x1] =	stream.indirect_vreg.gather [hbm4b:s7+s2], $0x80, v28, vm0, $0xb8;
	[tilespmem:$0x8980] =	vst v63  }
0x13d: {  	s23 =	simm.s32 $0x3E80;
	v35 =	vperm.xlane v18, v16;
	v34 =	vadd.s32 v1, v33  }
0x13e: {  	[tilespmem:s23], [sflag:$0x1] =	stream.indirect_vreg.gather [hbm4b:s7+s2], $0x80, v30, vm0, $0xb8;
	[tilespmem:$0x8980] =	vst v63  }
0x13f: {  	s24 =	simm.s32 $0x3F00;
	v18 =	vperm.xlane v18, v17;
	v36 =	vadd.s32 v1, v35  }
0x140: {  	[tilespmem:s24], [sflag:$0x1] =	stream.indirect_vreg.gather [hbm4b:s7+s2], $0x80, v32, vm0, $0xb8;
	[tilespmem:$0x8980] =	vst v63  }
0x141: {  	s25 =	simm.s32 $0x3F80;
	v18 =	vadd.s32 v1, v18  }
0x142: {  	[tilespmem:s25], [sflag:$0x1] =	stream.indirect_vreg.gather [hbm4b:s7+s2], $0x80, v34, vm0, $0xb8;
	[tilespmem:$0x8980] =	vst v63  }
0x143: {  	s26 =	simm.s32 $0x4000  }
0x144: {  	[tilespmem:s26], [sflag:$0x1] =	stream.indirect_vreg.gather [hbm4b:s7+s2], $0x80, v36, vm0, $0xb8;
	[tilespmem:$0x8980] =	vst v63  }
0x145: {  	s28 =	simm.s32 $0x4080  }
0x146: {  	[tilespmem:s28], [sflag:$0x1] =	stream.indirect_vreg.gather [hbm4b:s7+s2], $0x80, v18, vm0, $0xb8;
	[tilespmem:$0x8980] =	vst v63  }
0x147: {  	v18 =	vld [tilespmem:$0x80];
	_ =	sdelay $0x4  }
0x148: {  	v37 =	vshll.u32 v18, $0x5  }
0x149: {  	v18 =	vand.u32 $0x7, v18;
	v19 =	vand.u32 $0xFFFFFF00, v37  }
0x14a: {  	v18 =	vor.u32 v18, v19  }
0x14b: {  	v19 =	vperm.xlane v18, v2;
	_ =	sdelay $0x1  }
0x14c: {  	v38 =	vperm.xlane v18, v3;
	v19 =	vadd.s32 v1, v19;
	_ =	sdelay $0x1  }
0x14d: {  	v39 =	vperm.xlane v18, v4;
	v20 =	vadd.s32 v1, v38;
	_ =	sdelay $0x1  }
0x14e: {  	s8 =	sadd.s32 $0x80, s7;
	s7 =	simm.s32 $0x4100;
	v40 =	vperm.xlane v18, v5;
	v21 =	vadd.s32 v1, v39  }
0x14f: {  	[tilespmem:s7], [sflag:$0x1] =	stream.indirect_vreg.gather [hbm4b:s8+s2], $0x80, v19, vm0, $0xb8;
	[tilespmem:$0x8980] =	vst v63  }
0x150: {  	s9 =	simm.s32 $0x4180;
	v42 =	vperm.xlane v18, v7;
	v41 =	vadd.s32 v1, v40  }
0x151: {  	[tilespmem:s9], [sflag:$0x1] =	stream.indirect_vreg.gather [hbm4b:s8+s2], $0x80, v20, vm0, $0xb8;
	[tilespmem:$0x8980] =	vst v63  }
0x152: {  	s29 =	simm.s32 $0x4200;
	v44 =	vperm.xlane v18, v6;
	v43 =	vadd.s32 v1, v42  }
0x153: {  	[tilespmem:s29], [sflag:$0x1] =	stream.indirect_vreg.gather [hbm4b:s8+s2], $0x80, v21, vm0, $0xb8;
	[tilespmem:$0x8980] =	vst v63  }
0x154: {  	s30 =	simm.s32 $0x4280;
	v46 =	vperm.xlane v18, v9;
	v45 =	vadd.s32 v1, v44  }
0x155: {  	[tilespmem:s30], [sflag:$0x1] =	stream.indirect_vreg.gather [hbm4b:s8+s2], $0x80, v41, vm0, $0xb8;
	[tilespmem:$0x8980] =	vst v63  }
0x156: {  	s31 =	simm.s32 $0x4300;
	v48 =	vperm.xlane v18, v8;
	v47 =	vadd.s32 v1, v46  }
0x157: {  	[tilespmem:s31], [sflag:$0x1] =	stream.indirect_vreg.gather [hbm4b:s8+s2], $0x80, v43, vm0, $0xb8;
	[tilespmem:$0x8980] =	vst v63  }
0x158: {  	s10 =	simm.s32 $0x4380;
	v50 =	vperm.xlane v18, v10;
	v49 =	vadd.s32 v1, v48  }
0x159: {  	[tilespmem:s10], [sflag:$0x1] =	stream.indirect_vreg.gather [hbm4b:s8+s2], $0x80, v45, vm0, $0xb8;
	[tilespmem:$0x8980] =	vst v63  }
0x15a: {  	s11 =	simm.s32 $0x4400;
	v52 =	vperm.xlane v18, v11;
	v51 =	vadd.s32 v1, v50  }
0x15b: {  	[tilespmem:s11], [sflag:$0x1] =	stream.indirect_vreg.gather [hbm4b:s8+s2], $0x80, v47, vm0, $0xb8;
	[tilespmem:$0x8980] =	vst v63  }
0x15c: {  	s12 =	simm.s32 $0x4480;
	v54 =	vperm.xlane v18, v12;
	v53 =	vadd.s32 v1, v52  }
0x15d: {  	[tilespmem:s12], [sflag:$0x1] =	stream.indirect_vreg.gather [hbm4b:s8+s2], $0x80, v49, vm0, $0xb8;
	[tilespmem:$0x8980] =	vst v63  }
0x15e: {  	s13 =	simm.s32 $0x4500;
	v56 =	vperm.xlane v18, v13;
	v55 =	vadd.s32 v1, v54  }
0x15f: {  	[tilespmem:s13], [sflag:$0x1] =	stream.indirect_vreg.gather [hbm4b:s8+s2], $0x80, v51, vm0, $0xb8;
	[tilespmem:$0x8980] =	vst v63  }
0x160: {  	s14 =	simm.s32 $0x4580;
	v58 =	vperm.xlane v18, v14;
	v57 =	vadd.s32 v1, v56  }
0x161: {  	[tilespmem:s14], [sflag:$0x1] =	stream.indirect_vreg.gather [hbm4b:s8+s2], $0x80, v53, vm0, $0xb8;
	[tilespmem:$0x8980] =	vst v63  }
0x162: {  	s15 =	simm.s32 $0x4600;
	v60 =	vperm.xlane v18, v15;
	v59 =	vadd.s32 v1, v58  }
0x163: {  	[tilespmem:s15], [sflag:$0x1] =	stream.indirect_vreg.gather [hbm4b:s8+s2], $0x80, v55, vm0, $0xb8;
	[tilespmem:$0x8980] =	vst v63  }
0x164: {  	s16 =	simm.s32 $0x4680;
	v62 =	vperm.xlane v18, v16;
	v61 =	vadd.s32 v1, v60  }
0x165: {  	[tilespmem:s16], [sflag:$0x1] =	stream.indirect_vreg.gather [hbm4b:s8+s2], $0x80, v57, vm0, $0xb8;
	[tilespmem:$0x8980] =	vst v63  }
0x166: {  	s17 =	simm.s32 $0x4700;
	v18 =	vperm.xlane v18, v17;
	v63 =	vadd.s32 v1, v62  }
0x167: {  	[tilespmem:s17], [sflag:$0x1] =	stream.indirect_vreg.gather [hbm4b:s8+s2], $0x80, v59, vm0, $0xb8;
	[tilespmem:$0x8980] =	vst v63  }
0x168: {  	s18 =	simm.s32 $0x4780;
	v18 =	vadd.s32 v1, v18  }
0x169: {  	[tilespmem:s18], [sflag:$0x1] =	stream.indirect_vreg.gather [hbm4b:s8+s2], $0x80, v61, vm0, $0xb8;
	[tilespmem:$0x8980] =	vst v63  }
0x16a: {  	s19 =	simm.s32 $0x4800  }
0x16b: {  	[tilespmem:s19], [sflag:$0x1] =	stream.indirect_vreg.gather [hbm4b:s8+s2], $0x80, v63, vm0, $0xb8;
	[tilespmem:$0x8980] =	vst v63  }
0x16c: {  	s20 =	simm.s32 $0x4880  }
0x16d: {  	[tilespmem:s20], [sflag:$0x1] =	stream.indirect_vreg.gather [hbm4b:s8+s2], $0x80, v18, vm0, $0xb8;
	[tilespmem:$0x8980] =	vst v63  }
0x16e: {  	v18 =	vld [tilespmem:$0x90];
	_ =	sdelay $0x4  }
0x16f: {  	v23 =	vshll.u32 v18, $0x5  }
0x170: {  	v18 =	vand.u32 $0x7, v18;
	v19 =	vand.u32 $0xFFFFFF00, v23  }
0x171: {  	v18 =	vor.u32 v18, v19  }
0x172: {  	v19 =	vperm.xlane v18, v2;
	_ =	sdelay $0x1  }
0x173: {  	v24 =	vperm.xlane v18, v3;
	v19 =	vadd.s32 v1, v19;
	_ =	sdelay $0x1  }
0x174: {  	v25 =	vperm.xlane v18, v4;
	v20 =	vadd.s32 v1, v24;
	_ =	sdelay $0x1  }
0x175: {  	s21 =	simm.s32 $0x4900;
	v26 =	vperm.xlane v18, v5;
	v21 =	vadd.s32 v1, v25  }
0x176: {  	[tilespmem:s21], [sflag:$0x1] =	stream.indirect_vreg.gather [hbm4b:s8+s2], $0x80, v19, vm0, $0xb8;
	[tilespmem:$0x8980] =	vst v63  }
0x177: {  	s22 =	simm.s32 $0x4980;
	v28 =	vperm.xlane v18, v7;
	v27 =	vadd.s32 v1, v26  }
0x178: {  	[tilespmem:s22], [sflag:$0x1] =	stream.indirect_vreg.gather [hbm4b:s8+s2], $0x80, v20, vm0, $0xb8;
	[tilespmem:$0x8980] =	vst v63  }
0x179: {  	s23 =	simm.s32 $0x4A00;
	v30 =	vperm.xlane v18, v6;
	v29 =	vadd.s32 v1, v28  }
0x17a: {  	[tilespmem:s23], [sflag:$0x1] =	stream.indirect_vreg.gather [hbm4b:s8+s2], $0x80, v21, vm0, $0xb8;
	[tilespmem:$0x8980] =	vst v63  }
0x17b: {  	s24 =	simm.s32 $0x4A80;
	v32 =	vperm.xlane v18, v9;
	v31 =	vadd.s32 v1, v30  }
0x17c: {  	[tilespmem:s24], [sflag:$0x1] =	stream.indirect_vreg.gather [hbm4b:s8+s2], $0x80, v27, vm0, $0xb8;
	[tilespmem:$0x8980] =	vst v63  }
0x17d: {  	s25 =	simm.s32 $0x4B00;
	v34 =	vperm.xlane v18, v8;
	v33 =	vadd.s32 v1, v32  }
0x17e: {  	[tilespmem:s25], [sflag:$0x1] =	stream.indirect_vreg.gather [hbm4b:s8+s2], $0x80, v29, vm0, $0xb8;
	[tilespmem:$0x8980] =	vst v63  }
0x17f: {  	s26 =	simm.s32 $0x4B80;
	v36 =	vperm.xlane v18, v10;
	v35 =	vadd.s32 v1, v34  }
0x180: {  	[tilespmem:s26], [sflag:$0x1] =	stream.indirect_vreg.gather [hbm4b:s8+s2], $0x80, v31, vm0, $0xb8;
	[tilespmem:$0x8980] =	vst v63  }
0x181: {  	s28 =	simm.s32 $0x4C00;
	v38 =	vperm.xlane v18, v11;
	v37 =	vadd.s32 v1, v36  }
0x182: {  	[tilespmem:s28], [sflag:$0x1] =	stream.indirect_vreg.gather [hbm4b:s8+s2], $0x80, v33, vm0, $0xb8;
	[tilespmem:$0x8980] =	vst v63  }
0x183: {  	s29 =	simm.s32 $0x4C80;
	v40 =	vperm.xlane v18, v12;
	v39 =	vadd.s32 v1, v38  }
0x184: {  	[tilespmem:s29], [sflag:$0x1] =	stream.indirect_vreg.gather [hbm4b:s8+s2], $0x80, v35, vm0, $0xb8;
	[tilespmem:$0x8980] =	vst v63  }
0x185: {  	s30 =	simm.s32 $0x4D00;
	v42 =	vperm.xlane v18, v13;
	v41 =	vadd.s32 v1, v40  }
0x186: {  	[tilespmem:s30], [sflag:$0x1] =	stream.indirect_vreg.gather [hbm4b:s8+s2], $0x80, v37, vm0, $0xb8;
	[tilespmem:$0x8980] =	vst v63  }
0x187: {  	s31 =	simm.s32 $0x4D80;
	v44 =	vperm.xlane v18, v14;
	v43 =	vadd.s32 v1, v42  }
0x188: {  	[tilespmem:s31], [sflag:$0x1] =	stream.indirect_vreg.gather [hbm4b:s8+s2], $0x80, v39, vm0, $0xb8;
	[tilespmem:$0x8980] =	vst v63  }
0x189: {  	s10 =	simm.s32 $0x4E00;
	v46 =	vperm.xlane v18, v15;
	v45 =	vadd.s32 v1, v44  }
0x18a: {  	[tilespmem:s10], [sflag:$0x1] =	stream.indirect_vreg.gather [hbm4b:s8+s2], $0x80, v41, vm0, $0xb8;
	[tilespmem:$0x8980] =	vst v63  }
0x18b: {  	s11 =	simm.s32 $0x4E80;
	v48 =	vperm.xlane v18, v16;
	v47 =	vadd.s32 v1, v46  }
0x18c: {  	[tilespmem:s11], [sflag:$0x1] =	stream.indirect_vreg.gather [hbm4b:s8+s2], $0x80, v43, vm0, $0xb8;
	[tilespmem:$0x8980] =	vst v63  }
0x18d: {  	s12 =	simm.s32 $0x4F00;
	v18 =	vperm.xlane v18, v17;
	v49 =	vadd.s32 v1, v48  }
0x18e: {  	[tilespmem:s12], [sflag:$0x1] =	stream.indirect_vreg.gather [hbm4b:s8+s2], $0x80, v45, vm0, $0xb8;
	[tilespmem:$0x8980] =	vst v63  }
0x18f: {  	s13 =	simm.s32 $0x4F80;
	v18 =	vadd.s32 v1, v18  }
0x190: {  	[tilespmem:s13], [sflag:$0x1] =	stream.indirect_vreg.gather [hbm4b:s8+s2], $0x80, v47, vm0, $0xb8;
	[tilespmem:$0x8980] =	vst v63  }
0x191: {  	s14 =	simm.s32 $0x5000  }
0x192: {  	[tilespmem:s14], [sflag:$0x1] =	stream.indirect_vreg.gather [hbm4b:s8+s2], $0x80, v49, vm0, $0xb8;
	[tilespmem:$0x8980] =	vst v63  }
0x193: {  	s15 =	simm.s32 $0x5080  }
0x194: {  	[tilespmem:s15], [sflag:$0x1] =	stream.indirect_vreg.gather [hbm4b:s8+s2], $0x80, v18, vm0, $0xb8;
	[tilespmem:$0x8980] =	vst v63  }
0x195: {  	v18 =	vld [tilespmem:$0xA0];
	_ =	sdelay $0x4  }
0x196: {  	v50 =	vshll.u32 v18, $0x5  }
0x197: {  	v18 =	vand.u32 $0x7, v18;
	v19 =	vand.u32 $0xFFFFFF00, v50  }
0x198: {  	v18 =	vor.u32 v18, v19  }
0x199: {  	v19 =	vperm.xlane v18, v2;
	_ =	sdelay $0x1  }
0x19a: {  	v51 =	vperm.xlane v18, v3;
	v19 =	vadd.s32 v1, v19;
	_ =	sdelay $0x1  }
0x19b: {  	v52 =	vperm.xlane v18, v4;
	v20 =	vadd.s32 v1, v51;
	_ =	sdelay $0x1  }
0x19c: {  	s16 =	simm.s32 $0x5100;
	v53 =	vperm.xlane v18, v5;
	v21 =	vadd.s32 v1, v52  }
0x19d: {  	[tilespmem:s16], [sflag:$0x1] =	stream.indirect_vreg.gather [hbm4b:s8+s2], $0x80, v19, vm0, $0xb8;
	[tilespmem:$0x8980] =	vst v63  }
0x19e: {  	s17 =	simm.s32 $0x5180;
	v55 =	vperm.xlane v18, v7;
	v54 =	vadd.s32 v1, v53  }
0x19f: {  	[tilespmem:s17], [sflag:$0x1] =	stream.indirect_vreg.gather [hbm4b:s8+s2], $0x80, v20, vm0, $0xb8;
	[tilespmem:$0x8980] =	vst v63  }
0x1a0: {  	s18 =	simm.s32 $0x5200;
	v57 =	vperm.xlane v18, v6;
	v56 =	vadd.s32 v1, v55  }
0x1a1: {  	[tilespmem:s18], [sflag:$0x1] =	stream.indirect_vreg.gather [hbm4b:s8+s2], $0x80, v21, vm0, $0xb8;
	[tilespmem:$0x8980] =	vst v63  }
0x1a2: {  	s19 =	simm.s32 $0x5280;
	v59 =	vperm.xlane v18, v9;
	v58 =	vadd.s32 v1, v57  }
0x1a3: {  	[tilespmem:s19], [sflag:$0x1] =	stream.indirect_vreg.gather [hbm4b:s8+s2], $0x80, v54, vm0, $0xb8;
	[tilespmem:$0x8980] =	vst v63  }
0x1a4: {  	s20 =	simm.s32 $0x5300;
	v61 =	vperm.xlane v18, v8;
	v60 =	vadd.s32 v1, v59  }
0x1a5: {  	[tilespmem:s20], [sflag:$0x1] =	stream.indirect_vreg.gather [hbm4b:s8+s2], $0x80, v56, vm0, $0xb8;
	[tilespmem:$0x8980] =	vst v63  }
0x1a6: {  	s21 =	simm.s32 $0x5380;
	v63 =	vperm.xlane v18, v10;
	v62 =	vadd.s32 v1, v61  }
0x1a7: {  	[tilespmem:s21], [sflag:$0x1] =	stream.indirect_vreg.gather [hbm4b:s8+s2], $0x80, v58, vm0, $0xb8;
	[tilespmem:$0x8980] =	vst v63  }
0x1a8: {  	s22 =	simm.s32 $0x5400;
	v25 =	vperm.xlane v18, v11;
	v24 =	vadd.s32 v1, v63  }
0x1a9: {  	[tilespmem:s22], [sflag:$0x1] =	stream.indirect_vreg.gather [hbm4b:s8+s2], $0x80, v60, vm0, $0xb8;
	[tilespmem:$0x8980] =	vst v63  }
0x1aa: {  	s23 =	simm.s32 $0x5480;
	v27 =	vperm.xlane v18, v12;
	v26 =	vadd.s32 v1, v25  }
0x1ab: {  	[tilespmem:s23], [sflag:$0x1] =	stream.indirect_vreg.gather [hbm4b:s8+s2], $0x80, v62, vm0, $0xb8;
	[tilespmem:$0x8980] =	vst v63  }
0x1ac: {  	s24 =	simm.s32 $0x5500;
	v29 =	vperm.xlane v18, v13;
	v28 =	vadd.s32 v1, v27  }
0x1ad: {  	[tilespmem:s24], [sflag:$0x1] =	stream.indirect_vreg.gather [hbm4b:s8+s2], $0x80, v24, vm0, $0xb8;
	[tilespmem:$0x8980] =	vst v63  }
0x1ae: {  	s25 =	simm.s32 $0x5580;
	v31 =	vperm.xlane v18, v14;
	v30 =	vadd.s32 v1, v29  }
0x1af: {  	[tilespmem:s25], [sflag:$0x1] =	stream.indirect_vreg.gather [hbm4b:s8+s2], $0x80, v26, vm0, $0xb8;
	[tilespmem:$0x8980] =	vst v63  }
0x1b0: {  	s26 =	simm.s32 $0x5600;
	v33 =	vperm.xlane v18, v15;
	v32 =	vadd.s32 v1, v31  }
0x1b1: {  	[tilespmem:s26], [sflag:$0x1] =	stream.indirect_vreg.gather [hbm4b:s8+s2], $0x80, v28, vm0, $0xb8;
	[tilespmem:$0x8980] =	vst v63  }
0x1b2: {  	s28 =	simm.s32 $0x5680;
	v35 =	vperm.xlane v18, v16;
	v34 =	vadd.s32 v1, v33  }
0x1b3: {  	[tilespmem:s28], [sflag:$0x1] =	stream.indirect_vreg.gather [hbm4b:s8+s2], $0x80, v30, vm0, $0xb8;
	[tilespmem:$0x8980] =	vst v63  }
0x1b4: {  	s29 =	simm.s32 $0x5700;
	v18 =	vperm.xlane v18, v17;
	v36 =	vadd.s32 v1, v35  }
0x1b5: {  	[tilespmem:s29], [sflag:$0x1] =	stream.indirect_vreg.gather [hbm4b:s8+s2], $0x80, v32, vm0, $0xb8;
	[tilespmem:$0x8980] =	vst v63  }
0x1b6: {  	s30 =	simm.s32 $0x5780;
	v18 =	vadd.s32 v1, v18  }
0x1b7: {  	[tilespmem:s30], [sflag:$0x1] =	stream.indirect_vreg.gather [hbm4b:s8+s2], $0x80, v34, vm0, $0xb8;
	[tilespmem:$0x8980] =	vst v63  }
0x1b8: {  	s31 =	simm.s32 $0x5800  }
0x1b9: {  	[tilespmem:s31], [sflag:$0x1] =	stream.indirect_vreg.gather [hbm4b:s8+s2], $0x80, v36, vm0, $0xb8;
	[tilespmem:$0x8980] =	vst v63  }
0x1ba: {  	s10 =	simm.s32 $0x5880  }
0x1bb: {  	[tilespmem:s10], [sflag:$0x1] =	stream.indirect_vreg.gather [hbm4b:s8+s2], $0x80, v18, vm0, $0xb8;
	[tilespmem:$0x8980] =	vst v63  }
0x1bc: {  	v18 =	vld [tilespmem:$0xB0];
	_ =	sdelay $0x4  }
0x1bd: {  	v37 =	vshll.u32 v18, $0x5  }
0x1be: {  	v18 =	vand.u32 $0x7, v18;
	v19 =	vand.u32 $0xFFFFFF00, v37  }
0x1bf: {  	v18 =	vor.u32 v18, v19  }
0x1c0: {  	v19 =	vperm.xlane v18, v2;
	_ =	sdelay $0x1  }
0x1c1: {  	v38 =	vperm.xlane v18, v3;
	v19 =	vadd.s32 v1, v19;
	_ =	sdelay $0x1  }
0x1c2: {  	v39 =	vperm.xlane v18, v4;
	v20 =	vadd.s32 v1, v38;
	_ =	sdelay $0x1  }
0x1c3: {  	s11 =	simm.s32 $0x5900;
	v40 =	vperm.xlane v18, v5;
	v21 =	vadd.s32 v1, v39  }
0x1c4: {  	[tilespmem:s11], [sflag:$0x1] =	stream.indirect_vreg.gather [hbm4b:s8+s2], $0x80, v19, vm0, $0xb8;
	[tilespmem:$0x8980] =	vst v63  }
0x1c5: {  	s12 =	simm.s32 $0x5980;
	v42 =	vperm.xlane v18, v7;
	v41 =	vadd.s32 v1, v40  }
0x1c6: {  	[tilespmem:s12], [sflag:$0x1] =	stream.indirect_vreg.gather [hbm4b:s8+s2], $0x80, v20, vm0, $0xb8;
	[tilespmem:$0x8980] =	vst v63  }
0x1c7: {  	s13 =	simm.s32 $0x5A00;
	v44 =	vperm.xlane v18, v6;
	v43 =	vadd.s32 v1, v42  }
0x1c8: {  	[tilespmem:s13], [sflag:$0x1] =	stream.indirect_vreg.gather [hbm4b:s8+s2], $0x80, v21, vm0, $0xb8;
	[tilespmem:$0x8980] =	vst v63  }
0x1c9: {  	s14 =	simm.s32 $0x5A80;
	v46 =	vperm.xlane v18, v9;
	v45 =	vadd.s32 v1, v44  }
0x1ca: {  	[tilespmem:s14], [sflag:$0x1] =	stream.indirect_vreg.gather [hbm4b:s8+s2], $0x80, v41, vm0, $0xb8;
	[tilespmem:$0x8980] =	vst v63  }
0x1cb: {  	s15 =	simm.s32 $0x5B00;
	v48 =	vperm.xlane v18, v8;
	v47 =	vadd.s32 v1, v46  }
0x1cc: {  	[tilespmem:s15], [sflag:$0x1] =	stream.indirect_vreg.gather [hbm4b:s8+s2], $0x80, v43, vm0, $0xb8;
	[tilespmem:$0x8980] =	vst v63  }
0x1cd: {  	s16 =	simm.s32 $0x5B80;
	v50 =	vperm.xlane v18, v10;
	v49 =	vadd.s32 v1, v48  }
0x1ce: {  	[tilespmem:s16], [sflag:$0x1] =	stream.indirect_vreg.gather [hbm4b:s8+s2], $0x80, v45, vm0, $0xb8;
	[tilespmem:$0x8980] =	vst v63  }
0x1cf: {  	s17 =	simm.s32 $0x5C00;
	v52 =	vperm.xlane v18, v11;
	v51 =	vadd.s32 v1, v50  }
0x1d0: {  	[tilespmem:s17], [sflag:$0x1] =	stream.indirect_vreg.gather [hbm4b:s8+s2], $0x80, v47, vm0, $0xb8;
	[tilespmem:$0x8980] =	vst v63  }
0x1d1: {  	s18 =	simm.s32 $0x5C80;
	v54 =	vperm.xlane v18, v12;
	v53 =	vadd.s32 v1, v52  }
0x1d2: {  	[tilespmem:s18], [sflag:$0x1] =	stream.indirect_vreg.gather [hbm4b:s8+s2], $0x80, v49, vm0, $0xb8;
	[tilespmem:$0x8980] =	vst v63  }
0x1d3: {  	s19 =	simm.s32 $0x5D00;
	v56 =	vperm.xlane v18, v13;
	v55 =	vadd.s32 v1, v54  }
0x1d4: {  	[tilespmem:s19], [sflag:$0x1] =	stream.indirect_vreg.gather [hbm4b:s8+s2], $0x80, v51, vm0, $0xb8;
	[tilespmem:$0x8980] =	vst v63  }
0x1d5: {  	s20 =	simm.s32 $0x5D80;
	v58 =	vperm.xlane v18, v14;
	v57 =	vadd.s32 v1, v56  }
0x1d6: {  	[tilespmem:s20], [sflag:$0x1] =	stream.indirect_vreg.gather [hbm4b:s8+s2], $0x80, v53, vm0, $0xb8;
	[tilespmem:$0x8980] =	vst v63  }
0x1d7: {  	s21 =	simm.s32 $0x5E00;
	v60 =	vperm.xlane v18, v15;
	v59 =	vadd.s32 v1, v58  }
0x1d8: {  	[tilespmem:s21], [sflag:$0x1] =	stream.indirect_vreg.gather [hbm4b:s8+s2], $0x80, v55, vm0, $0xb8;
	[tilespmem:$0x8980] =	vst v63  }
0x1d9: {  	s22 =	simm.s32 $0x5E80;
	v62 =	vperm.xlane v18, v16;
	v61 =	vadd.s32 v1, v60  }
0x1da: {  	[tilespmem:s22], [sflag:$0x1] =	stream.indirect_vreg.gather [hbm4b:s8+s2], $0x80, v57, vm0, $0xb8;
	[tilespmem:$0x8980] =	vst v63  }
0x1db: {  	s23 =	simm.s32 $0x5F00;
	v18 =	vperm.xlane v18, v17;
	v63 =	vadd.s32 v1, v62  }
0x1dc: {  	[tilespmem:s23], [sflag:$0x1] =	stream.indirect_vreg.gather [hbm4b:s8+s2], $0x80, v59, vm0, $0xb8;
	[tilespmem:$0x8980] =	vst v63  }
0x1dd: {  	s24 =	simm.s32 $0x5F80;
	v18 =	vadd.s32 v1, v18  }
0x1de: {  	[tilespmem:s24], [sflag:$0x1] =	stream.indirect_vreg.gather [hbm4b:s8+s2], $0x80, v61, vm0, $0xb8;
	[tilespmem:$0x8980] =	vst v63  }
0x1df: {  	s25 =	simm.s32 $0x6000  }
0x1e0: {  	[tilespmem:s25], [sflag:$0x1] =	stream.indirect_vreg.gather [hbm4b:s8+s2], $0x80, v63, vm0, $0xb8;
	[tilespmem:$0x8980] =	vst v63  }
0x1e1: {  	s26 =	simm.s32 $0x6080  }
0x1e2: {  	[tilespmem:s26], [sflag:$0x1] =	stream.indirect_vreg.gather [hbm4b:s8+s2], $0x80, v18, vm0, $0xb8;
	[tilespmem:$0x8980] =	vst v63  }
0x1e3: {  	v18 =	vld [tilespmem:$0xC0];
	_ =	sdelay $0x4  }
0x1e4: {  	v23 =	vshll.u32 v18, $0x5  }
0x1e5: {  	v18 =	vand.u32 $0x7, v18;
	v19 =	vand.u32 $0xFFFFFF00, v23  }
0x1e6: {  	v18 =	vor.u32 v18, v19  }
0x1e7: {  	v19 =	vperm.xlane v18, v2;
	_ =	sdelay $0x1  }
0x1e8: {  	v24 =	vperm.xlane v18, v3;
	v19 =	vadd.s32 v1, v19;
	_ =	sdelay $0x1  }
0x1e9: {  	v25 =	vperm.xlane v18, v4;
	v20 =	vadd.s32 v1, v24;
	_ =	sdelay $0x1  }
0x1ea: {  	s28 =	simm.s32 $0x6100;
	v26 =	vperm.xlane v18, v5;
	v21 =	vadd.s32 v1, v25  }
0x1eb: {  	[tilespmem:s28], [sflag:$0x1] =	stream.indirect_vreg.gather [hbm4b:s8+s2], $0x80, v19, vm0, $0xb8;
	[tilespmem:$0x8980] =	vst v63  }
0x1ec: {  	s29 =	simm.s32 $0x6180;
	v28 =	vperm.xlane v18, v7;
	v27 =	vadd.s32 v1, v26  }
0x1ed: {  	[tilespmem:s29], [sflag:$0x1] =	stream.indirect_vreg.gather [hbm4b:s8+s2], $0x80, v20, vm0, $0xb8;
	[tilespmem:$0x8980] =	vst v63  }
0x1ee: {  	s30 =	simm.s32 $0x6200;
	v30 =	vperm.xlane v18, v6;
	v29 =	vadd.s32 v1, v28  }
0x1ef: {  	[tilespmem:s30], [sflag:$0x1] =	stream.indirect_vreg.gather [hbm4b:s8+s2], $0x80, v21, vm0, $0xb8;
	[tilespmem:$0x8980] =	vst v63  }
0x1f0: {  	s31 =	simm.s32 $0x6280;
	v32 =	vperm.xlane v18, v9;
	v31 =	vadd.s32 v1, v30  }
0x1f1: {  	[tilespmem:s31], [sflag:$0x1] =	stream.indirect_vreg.gather [hbm4b:s8+s2], $0x80, v27, vm0, $0xb8;
	[tilespmem:$0x8980] =	vst v63  }
0x1f2: {  	s10 =	simm.s32 $0x6300;
	v34 =	vperm.xlane v18, v8;
	v33 =	vadd.s32 v1, v32  }
0x1f3: {  	[tilespmem:s10], [sflag:$0x1] =	stream.indirect_vreg.gather [hbm4b:s8+s2], $0x80, v29, vm0, $0xb8;
	[tilespmem:$0x8980] =	vst v63  }
0x1f4: {  	s11 =	simm.s32 $0x6380;
	v36 =	vperm.xlane v18, v10;
	v35 =	vadd.s32 v1, v34  }
0x1f5: {  	[tilespmem:s11], [sflag:$0x1] =	stream.indirect_vreg.gather [hbm4b:s8+s2], $0x80, v31, vm0, $0xb8;
	[tilespmem:$0x8980] =	vst v63  }
0x1f6: {  	s12 =	simm.s32 $0x6400;
	v38 =	vperm.xlane v18, v11;
	v37 =	vadd.s32 v1, v36  }
0x1f7: {  	[tilespmem:s12], [sflag:$0x1] =	stream.indirect_vreg.gather [hbm4b:s8+s2], $0x80, v33, vm0, $0xb8;
	[tilespmem:$0x8980] =	vst v63  }
0x1f8: {  	s13 =	simm.s32 $0x6480;
	v40 =	vperm.xlane v18, v12;
	v39 =	vadd.s32 v1, v38  }
0x1f9: {  	[tilespmem:s13], [sflag:$0x1] =	stream.indirect_vreg.gather [hbm4b:s8+s2], $0x80, v35, vm0, $0xb8;
	[tilespmem:$0x8980] =	vst v63  }
0x1fa: {  	s14 =	simm.s32 $0x6500;
	v42 =	vperm.xlane v18, v13;
	v41 =	vadd.s32 v1, v40  }
0x1fb: {  	[tilespmem:s14], [sflag:$0x1] =	stream.indirect_vreg.gather [hbm4b:s8+s2], $0x80, v37, vm0, $0xb8;
	[tilespmem:$0x8980] =	vst v63  }
0x1fc: {  	s15 =	simm.s32 $0x6580;
	v44 =	vperm.xlane v18, v14;
	v43 =	vadd.s32 v1, v42  }
0x1fd: {  	[tilespmem:s15], [sflag:$0x1] =	stream.indirect_vreg.gather [hbm4b:s8+s2], $0x80, v39, vm0, $0xb8;
	[tilespmem:$0x8980] =	vst v63  }
0x1fe: {  	s16 =	simm.s32 $0x6600;
	v46 =	vperm.xlane v18, v15;
	v45 =	vadd.s32 v1, v44  }
0x1ff: {  	[tilespmem:s16], [sflag:$0x1] =	stream.indirect_vreg.gather [hbm4b:s8+s2], $0x80, v41, vm0, $0xb8;
	[tilespmem:$0x8980] =	vst v63  }
0x200: {  	s17 =	simm.s32 $0x6680;
	v48 =	vperm.xlane v18, v16;
	v47 =	vadd.s32 v1, v46  }
0x201: {  	[tilespmem:s17], [sflag:$0x1] =	stream.indirect_vreg.gather [hbm4b:s8+s2], $0x80, v43, vm0, $0xb8;
	[tilespmem:$0x8980] =	vst v63  }
0x202: {  	s18 =	simm.s32 $0x6700;
	v18 =	vperm.xlane v18, v17;
	v49 =	vadd.s32 v1, v48  }
0x203: {  	[tilespmem:s18], [sflag:$0x1] =	stream.indirect_vreg.gather [hbm4b:s8+s2], $0x80, v45, vm0, $0xb8;
	[tilespmem:$0x8980] =	vst v63  }
0x204: {  	s19 =	simm.s32 $0x6780;
	v18 =	vadd.s32 v1, v18  }
0x205: {  	[tilespmem:s19], [sflag:$0x1] =	stream.indirect_vreg.gather [hbm4b:s8+s2], $0x80, v47, vm0, $0xb8;
	[tilespmem:$0x8980] =	vst v63  }
0x206: {  	s20 =	simm.s32 $0x6800  }
0x207: {  	[tilespmem:s20], [sflag:$0x1] =	stream.indirect_vreg.gather [hbm4b:s8+s2], $0x80, v49, vm0, $0xb8;
	[tilespmem:$0x8980] =	vst v63  }
0x208: {  	s21 =	simm.s32 $0x6880  }
0x209: {  	[tilespmem:s21], [sflag:$0x1] =	stream.indirect_vreg.gather [hbm4b:s8+s2], $0x80, v18, vm0, $0xb8;
	[tilespmem:$0x8980] =	vst v63  }
0x20a: {  	v18 =	vld [tilespmem:$0xD0];
	_ =	sdelay $0x4  }
0x20b: {  	v50 =	vshll.u32 v18, $0x5  }
0x20c: {  	v18 =	vand.u32 $0x7, v18;
	v19 =	vand.u32 $0xFFFFFF00, v50  }
0x20d: {  	v18 =	vor.u32 v18, v19  }
0x20e: {  	v19 =	vperm.xlane v18, v2;
	_ =	sdelay $0x1  }
0x20f: {  	v51 =	vperm.xlane v18, v3;
	v19 =	vadd.s32 v1, v19;
	_ =	sdelay $0x1  }
0x210: {  	v52 =	vperm.xlane v18, v4;
	v20 =	vadd.s32 v1, v51;
	_ =	sdelay $0x1  }
0x211: {  	s22 =	simm.s32 $0x6900;
	v53 =	vperm.xlane v18, v5;
	v21 =	vadd.s32 v1, v52  }
0x212: {  	[tilespmem:s22], [sflag:$0x1] =	stream.indirect_vreg.gather [hbm4b:s8+s2], $0x80, v19, vm0, $0xb8;
	[tilespmem:$0x8980] =	vst v63  }
0x213: {  	s23 =	simm.s32 $0x6980;
	v55 =	vperm.xlane v18, v7;
	v54 =	vadd.s32 v1, v53  }
0x214: {  	[tilespmem:s23], [sflag:$0x1] =	stream.indirect_vreg.gather [hbm4b:s8+s2], $0x80, v20, vm0, $0xb8;
	[tilespmem:$0x8980] =	vst v63  }
0x215: {  	s24 =	simm.s32 $0x6A00;
	v57 =	vperm.xlane v18, v6;
	v56 =	vadd.s32 v1, v55  }
0x216: {  	[tilespmem:s24], [sflag:$0x1] =	stream.indirect_vreg.gather [hbm4b:s8+s2], $0x80, v21, vm0, $0xb8;
	[tilespmem:$0x8980] =	vst v63  }
0x217: {  	s25 =	simm.s32 $0x6A80;
	v59 =	vperm.xlane v18, v9;
	v58 =	vadd.s32 v1, v57  }
0x218: {  	[tilespmem:s25], [sflag:$0x1] =	stream.indirect_vreg.gather [hbm4b:s8+s2], $0x80, v54, vm0, $0xb8;
	[tilespmem:$0x8980] =	vst v63  }
0x219: {  	s26 =	simm.s32 $0x6B00;
	v61 =	vperm.xlane v18, v8;
	v60 =	vadd.s32 v1, v59  }
0x21a: {  	[tilespmem:s26], [sflag:$0x1] =	stream.indirect_vreg.gather [hbm4b:s8+s2], $0x80, v56, vm0, $0xb8;
	[tilespmem:$0x8980] =	vst v63  }
0x21b: {  	s28 =	simm.s32 $0x6B80;
	v63 =	vperm.xlane v18, v10;
	v62 =	vadd.s32 v1, v61  }
0x21c: {  	[tilespmem:s28], [sflag:$0x1] =	stream.indirect_vreg.gather [hbm4b:s8+s2], $0x80, v58, vm0, $0xb8;
	[tilespmem:$0x8980] =	vst v63  }
0x21d: {  	s29 =	simm.s32 $0x6C00;
	v25 =	vperm.xlane v18, v11;
	v24 =	vadd.s32 v1, v63  }
0x21e: {  	[tilespmem:s29], [sflag:$0x1] =	stream.indirect_vreg.gather [hbm4b:s8+s2], $0x80, v60, vm0, $0xb8;
	[tilespmem:$0x8980] =	vst v63  }
0x21f: {  	s30 =	simm.s32 $0x6C80;
	v27 =	vperm.xlane v18, v12;
	v26 =	vadd.s32 v1, v25  }
0x220: {  	[tilespmem:s30], [sflag:$0x1] =	stream.indirect_vreg.gather [hbm4b:s8+s2], $0x80, v62, vm0, $0xb8;
	[tilespmem:$0x8980] =	vst v63  }
0x221: {  	s31 =	simm.s32 $0x6D00;
	v29 =	vperm.xlane v18, v13;
	v28 =	vadd.s32 v1, v27  }
0x222: {  	[tilespmem:s31], [sflag:$0x1] =	stream.indirect_vreg.gather [hbm4b:s8+s2], $0x80, v24, vm0, $0xb8;
	[tilespmem:$0x8980] =	vst v63  }
0x223: {  	s10 =	simm.s32 $0x6D80;
	v31 =	vperm.xlane v18, v14;
	v30 =	vadd.s32 v1, v29  }
0x224: {  	[tilespmem:s10], [sflag:$0x1] =	stream.indirect_vreg.gather [hbm4b:s8+s2], $0x80, v26, vm0, $0xb8;
	[tilespmem:$0x8980] =	vst v63  }
0x225: {  	s11 =	simm.s32 $0x6E00;
	v33 =	vperm.xlane v18, v15;
	v32 =	vadd.s32 v1, v31  }
0x226: {  	[tilespmem:s11], [sflag:$0x1] =	stream.indirect_vreg.gather [hbm4b:s8+s2], $0x80, v28, vm0, $0xb8;
	[tilespmem:$0x8980] =	vst v63  }
0x227: {  	s12 =	simm.s32 $0x6E80;
	v35 =	vperm.xlane v18, v16;
	v34 =	vadd.s32 v1, v33  }
0x228: {  	[tilespmem:s12], [sflag:$0x1] =	stream.indirect_vreg.gather [hbm4b:s8+s2], $0x80, v30, vm0, $0xb8;
	[tilespmem:$0x8980] =	vst v63  }
0x229: {  	s13 =	simm.s32 $0x6F00;
	v18 =	vperm.xlane v18, v17;
	v36 =	vadd.s32 v1, v35  }
0x22a: {  	[tilespmem:s13], [sflag:$0x1] =	stream.indirect_vreg.gather [hbm4b:s8+s2], $0x80, v32, vm0, $0xb8;
	[tilespmem:$0x8980] =	vst v63  }
0x22b: {  	s14 =	simm.s32 $0x6F80;
	v18 =	vadd.s32 v1, v18  }
0x22c: {  	[tilespmem:s14], [sflag:$0x1] =	stream.indirect_vreg.gather [hbm4b:s8+s2], $0x80, v34, vm0, $0xb8;
	[tilespmem:$0x8980] =	vst v63  }
0x22d: {  	s15 =	simm.s32 $0x7000  }
0x22e: {  	[tilespmem:s15], [sflag:$0x1] =	stream.indirect_vreg.gather [hbm4b:s8+s2], $0x80, v36, vm0, $0xb8;
	[tilespmem:$0x8980] =	vst v63  }
0x22f: {  	s16 =	simm.s32 $0x7080  }
0x230: {  	[tilespmem:s16], [sflag:$0x1] =	stream.indirect_vreg.gather [hbm4b:s8+s2], $0x80, v18, vm0, $0xb8;
	[tilespmem:$0x8980] =	vst v63  }
0x231: {  	v18 =	vld [tilespmem:$0xE0];
	_ =	sdelay $0x4  }
0x232: {  	v37 =	vshll.u32 v18, $0x5  }
0x233: {  	v18 =	vand.u32 $0x7, v18;
	v19 =	vand.u32 $0xFFFFFF00, v37  }
0x234: {  	v18 =	vor.u32 v18, v19  }
0x235: {  	v19 =	vperm.xlane v18, v2;
	_ =	sdelay $0x1  }
0x236: {  	v38 =	vperm.xlane v18, v3;
	v19 =	vadd.s32 v1, v19;
	_ =	sdelay $0x1  }
0x237: {  	v39 =	vperm.xlane v18, v4;
	v20 =	vadd.s32 v1, v38;
	_ =	sdelay $0x1  }
0x238: {  	s17 =	simm.s32 $0x7100;
	v40 =	vperm.xlane v18, v5;
	v21 =	vadd.s32 v1, v39  }
0x239: {  	[tilespmem:s17], [sflag:$0x1] =	stream.indirect_vreg.gather [hbm4b:s8+s2], $0x80, v19, vm0, $0xb8;
	[tilespmem:$0x8980] =	vst v63  }
0x23a: {  	s18 =	simm.s32 $0x7180;
	v42 =	vperm.xlane v18, v7;
	v41 =	vadd.s32 v1, v40  }
0x23b: {  	[tilespmem:s18], [sflag:$0x1] =	stream.indirect_vreg.gather [hbm4b:s8+s2], $0x80, v20, vm0, $0xb8;
	[tilespmem:$0x8980] =	vst v63  }
0x23c: {  	s19 =	simm.s32 $0x7200;
	v44 =	vperm.xlane v18, v6;
	v43 =	vadd.s32 v1, v42  }
0x23d: {  	[tilespmem:s19], [sflag:$0x1] =	stream.indirect_vreg.gather [hbm4b:s8+s2], $0x80, v21, vm0, $0xb8;
	[tilespmem:$0x8980] =	vst v63  }
0x23e: {  	s20 =	simm.s32 $0x7280;
	v46 =	vperm.xlane v18, v9;
	v45 =	vadd.s32 v1, v44  }
0x23f: {  	[tilespmem:s20], [sflag:$0x1] =	stream.indirect_vreg.gather [hbm4b:s8+s2], $0x80, v41, vm0, $0xb8;
	[tilespmem:$0x8980] =	vst v63  }
0x240: {  	s21 =	simm.s32 $0x7300;
	v48 =	vperm.xlane v18, v8;
	v47 =	vadd.s32 v1, v46  }
0x241: {  	[tilespmem:s21], [sflag:$0x1] =	stream.indirect_vreg.gather [hbm4b:s8+s2], $0x80, v43, vm0, $0xb8;
	[tilespmem:$0x8980] =	vst v63  }
0x242: {  	s22 =	simm.s32 $0x7380;
	v50 =	vperm.xlane v18, v10;
	v49 =	vadd.s32 v1, v48  }
0x243: {  	[tilespmem:s22], [sflag:$0x1] =	stream.indirect_vreg.gather [hbm4b:s8+s2], $0x80, v45, vm0, $0xb8;
	[tilespmem:$0x8980] =	vst v63  }
0x244: {  	s23 =	simm.s32 $0x7400;
	v52 =	vperm.xlane v18, v11;
	v51 =	vadd.s32 v1, v50  }
0x245: {  	[tilespmem:s23], [sflag:$0x1] =	stream.indirect_vreg.gather [hbm4b:s8+s2], $0x80, v47, vm0, $0xb8;
	[tilespmem:$0x8980] =	vst v63  }
0x246: {  	s24 =	simm.s32 $0x7480;
	v54 =	vperm.xlane v18, v12;
	v53 =	vadd.s32 v1, v52  }
0x247: {  	[tilespmem:s24], [sflag:$0x1] =	stream.indirect_vreg.gather [hbm4b:s8+s2], $0x80, v49, vm0, $0xb8;
	[tilespmem:$0x8980] =	vst v63  }
0x248: {  	s25 =	simm.s32 $0x7500;
	v56 =	vperm.xlane v18, v13;
	v55 =	vadd.s32 v1, v54  }
0x249: {  	[tilespmem:s25], [sflag:$0x1] =	stream.indirect_vreg.gather [hbm4b:s8+s2], $0x80, v51, vm0, $0xb8;
	[tilespmem:$0x8980] =	vst v63  }
0x24a: {  	s26 =	simm.s32 $0x7580;
	v58 =	vperm.xlane v18, v14;
	v57 =	vadd.s32 v1, v56  }
0x24b: {  	[tilespmem:s26], [sflag:$0x1] =	stream.indirect_vreg.gather [hbm4b:s8+s2], $0x80, v53, vm0, $0xb8;
	[tilespmem:$0x8980] =	vst v63  }
0x24c: {  	s28 =	simm.s32 $0x7600;
	v60 =	vperm.xlane v18, v15;
	v59 =	vadd.s32 v1, v58  }
0x24d: {  	[tilespmem:s28], [sflag:$0x1] =	stream.indirect_vreg.gather [hbm4b:s8+s2], $0x80, v55, vm0, $0xb8;
	[tilespmem:$0x8980] =	vst v63  }
0x24e: {  	s29 =	simm.s32 $0x7680;
	v62 =	vperm.xlane v18, v16;
	v61 =	vadd.s32 v1, v60  }
0x24f: {  	[tilespmem:s29], [sflag:$0x1] =	stream.indirect_vreg.gather [hbm4b:s8+s2], $0x80, v57, vm0, $0xb8;
	[tilespmem:$0x8980] =	vst v63  }
0x250: {  	s30 =	simm.s32 $0x7700;
	v18 =	vperm.xlane v18, v17;
	v63 =	vadd.s32 v1, v62  }
0x251: {  	[tilespmem:s30], [sflag:$0x1] =	stream.indirect_vreg.gather [hbm4b:s8+s2], $0x80, v59, vm0, $0xb8;
	[tilespmem:$0x8980] =	vst v63  }
0x252: {  	s31 =	simm.s32 $0x7780;
	v18 =	vadd.s32 v1, v18  }
0x253: {  	[tilespmem:s31], [sflag:$0x1] =	stream.indirect_vreg.gather [hbm4b:s8+s2], $0x80, v61, vm0, $0xb8;
	[tilespmem:$0x8980] =	vst v63  }
0x254: {  	s10 =	simm.s32 $0x7800  }
0x255: {  	[tilespmem:s10], [sflag:$0x1] =	stream.indirect_vreg.gather [hbm4b:s8+s2], $0x80, v63, vm0, $0xb8;
	[tilespmem:$0x8980] =	vst v63  }
0x256: {  	s11 =	simm.s32 $0x7880  }
0x257: {  	[tilespmem:s11], [sflag:$0x1] =	stream.indirect_vreg.gather [hbm4b:s8+s2], $0x80, v18, vm0, $0xb8;
	[tilespmem:$0x8980] =	vst v63  }
0x258: {  	v18 =	vld [tilespmem:$0xF0];
	_ =	sdelay $0x4  }
0x259: {  	v24 =	vshll.u32 v18, $0x5  }
0x25a: {  	v18 =	vand.u32 $0x7, v18;
	v19 =	vand.u32 $0xFFFFFF00, v24  }
0x25b: {  	v18 =	vor.u32 v18, v19  }
0x25c: {  	v2 =	vperm.xlane v18, v2;
	_ =	sdelay $0x1  }
0x25d: {  	v3 =	vperm.xlane v18, v3;
	v2 =	vadd.s32 v1, v2;
	_ =	sdelay $0x1  }
0x25e: {  	v4 =	vperm.xlane v18, v4;
	v3 =	vadd.s32 v1, v3;
	_ =	sdelay $0x1  }
0x25f: {  	s12 =	simm.s32 $0x7900;
	v5 =	vperm.xlane v18, v5;
	v4 =	vadd.s32 v1, v4  }
0x260: {  	[tilespmem:s12], [sflag:$0x1] =	stream.indirect_vreg.gather [hbm4b:s8+s2], $0x80, v2, vm0, $0xb8;
	[tilespmem:$0x8980] =	vst v63  }
0x261: {  	s13 =	simm.s32 $0x7980;
	v26 =	vperm.xlane v18, v7;
	v25 =	vadd.s32 v1, v5  }
0x262: {  	[tilespmem:s13], [sflag:$0x1] =	stream.indirect_vreg.gather [hbm4b:s8+s2], $0x80, v3, vm0, $0xb8;
	[tilespmem:$0x8980] =	vst v63  }
0x263: {  	s14 =	simm.s32 $0x7A00;
	v28 =	vperm.xlane v18, v6;
	v27 =	vadd.s32 v1, v26  }
0x264: {  	[tilespmem:s14], [sflag:$0x1] =	stream.indirect_vreg.gather [hbm4b:s8+s2], $0x80, v4, vm0, $0xb8;
	[tilespmem:$0x8980] =	vst v63  }
0x265: {  	s15 =	simm.s32 $0x7A80;
	v30 =	vperm.xlane v18, v9;
	v29 =	vadd.s32 v1, v28  }
0x266: {  	[tilespmem:s15], [sflag:$0x1] =	stream.indirect_vreg.gather [hbm4b:s8+s2], $0x80, v25, vm0, $0xb8;
	[tilespmem:$0x8980] =	vst v63  }
0x267: {  	s16 =	simm.s32 $0x7B00;
	v32 =	vperm.xlane v18, v8;
	v31 =	vadd.s32 v1, v30  }
0x268: {  	[tilespmem:s16], [sflag:$0x1] =	stream.indirect_vreg.gather [hbm4b:s8+s2], $0x80, v27, vm0, $0xb8;
	[tilespmem:$0x8980] =	vst v63  }
0x269: {  	s17 =	simm.s32 $0x7B80;
	v34 =	vperm.xlane v18, v10;
	v33 =	vadd.s32 v1, v32  }
0x26a: {  	[tilespmem:s17], [sflag:$0x1] =	stream.indirect_vreg.gather [hbm4b:s8+s2], $0x80, v29, vm0, $0xb8;
	[tilespmem:$0x8980] =	vst v63  }
0x26b: {  	s18 =	simm.s32 $0x7C00;
	v36 =	vperm.xlane v18, v11;
	v35 =	vadd.s32 v1, v34  }
0x26c: {  	[tilespmem:s18], [sflag:$0x1] =	stream.indirect_vreg.gather [hbm4b:s8+s2], $0x80, v31, vm0, $0xb8;
	[tilespmem:$0x8980] =	vst v63  }
0x26d: {  	s19 =	simm.s32 $0x7C80;
	v38 =	vperm.xlane v18, v12;
	v37 =	vadd.s32 v1, v36  }
0x26e: {  	[tilespmem:s19], [sflag:$0x1] =	stream.indirect_vreg.gather [hbm4b:s8+s2], $0x80, v33, vm0, $0xb8;
	[tilespmem:$0x8980] =	vst v63  }
0x26f: {  	s20 =	simm.s32 $0x7D00;
	v40 =	vperm.xlane v18, v13;
	v39 =	vadd.s32 v1, v38  }
0x270: {  	[tilespmem:s20], [sflag:$0x1] =	stream.indirect_vreg.gather [hbm4b:s8+s2], $0x80, v35, vm0, $0xb8;
	[tilespmem:$0x8980] =	vst v63  }
0x271: {  	s21 =	simm.s32 $0x7D80;
	v42 =	vperm.xlane v18, v14;
	v41 =	vadd.s32 v1, v40  }
0x272: {  	[tilespmem:s21], [sflag:$0x1] =	stream.indirect_vreg.gather [hbm4b:s8+s2], $0x80, v37, vm0, $0xb8;
	[tilespmem:$0x8980] =	vst v63  }
0x273: {  	s22 =	simm.s32 $0x7E00;
	v44 =	vperm.xlane v18, v15;
	v43 =	vadd.s32 v1, v42  }
0x274: {  	[tilespmem:s22], [sflag:$0x1] =	stream.indirect_vreg.gather [hbm4b:s8+s2], $0x80, v39, vm0, $0xb8;
	[tilespmem:$0x8980] =	vst v63  }
0x275: {  	s23 =	simm.s32 $0x7E80;
	v46 =	vperm.xlane v18, v16;
	v45 =	vadd.s32 v1, v44  }
0x276: {  	[tilespmem:s23], [sflag:$0x1] =	stream.indirect_vreg.gather [hbm4b:s8+s2], $0x80, v41, vm0, $0xb8;
	[tilespmem:$0x8980] =	vst v63  }
0x277: {  	s24 =	simm.s32 $0x7F00;
	v48 =	vperm.xlane v18, v17;
	v47 =	vadd.s32 v1, v46  }
0x278: {  	[tilespmem:s24], [sflag:$0x1] =	stream.indirect_vreg.gather [hbm4b:s8+s2], $0x80, v43, vm0, $0xb8;
	[tilespmem:$0x8980] =	vst v63  }
0x279: {  	s25 =	simm.s32 $0x7F80;
	v1 =	vadd.s32 v1, v48  }
0x27a: {  	[tilespmem:s25], [sflag:$0x1] =	stream.indirect_vreg.gather [hbm4b:s8+s2], $0x80, v45, vm0, $0xb8;
	[tilespmem:$0x8980] =	vst v63  }
0x27b: {  	s26 =	simm.s32 $0x8000  }
0x27c: {  	[tilespmem:s26], [sflag:$0x1] =	stream.indirect_vreg.gather [hbm4b:s8+s2], $0x80, v47, vm0, $0xb8;
	[tilespmem:$0x8980] =	vst v63  }
0x27d: {  	s28 =	simm.s32 $0x8080;
	s29 =	simm.s32 $0x1  }
0x27e: {  	[tilespmem:s28], [sflag:$0x1] =	stream.indirect_vreg.gather [hbm4b:s8+s2], $0x80, v1, vm0, $0xb8;
	[tilespmem:$0x8980] =	vst v63  }
0x27f: {  	v0 =	vmul.u32 $0x81, v0;
	_ =	swait.ge [sflag:s29], $0x4000  }
0x280: {  	[sflag:s29] =	ssyncset.done $0x0  }
0x281: {  	[sflag:s29] =	ssyncadd.s32 $0xFFFFC000  }
0x282: {  	_ =	swait.ge [sflag:s29], $0x4000  }
0x283: {  	[sflag:s29] =	ssyncset.done $0x0  }
0x284: {  	v49 =	vadd.s32 $0x810, v0;
	[sflag:s29] =	ssyncadd.s32 $0xFFFFC000  }
0x285: {  	v50 =	vld.idx.msk [tilespmem:v0+s6+$0x0], $0xffff;
	_ =	sdelay $0x1  }
0x286: {  	v51 =	vld.idx.msk [tilespmem:v0+s7+$0x0], $0xffff  }
0x287: {  	v52 =	vadd.s32 $0x1020, v0  }
0x288: {  	v53 =	vld.idx.msk [tilespmem:v49+s6+$0x0], $0xffff  }
0x289: {  	v2 =	vadd.f32 $0.0e+00, v50  }
0x28a: {  	v1 =	vld.idx.msk [tilespmem:v49+s7+$0x0], $0xffff  }
0x28b: {  	v54 =	vadd.s32 $0x1830, v0;
	v2 =	vadd.f32 v51, v2  }
0x28c: {  	v55 =	vld.idx.msk [tilespmem:v52+s6+$0x0], $0xffff  }
0x28d: {  	v2 =	vadd.f32 v53, v2  }
0x28e: {  	v4 =	vld.idx.msk [tilespmem:v52+s7+$0x0], $0xffff  }
0x28f: {  	v56 =	vadd.s32 $0x2040, v0;
	v1 =	vadd.f32 v1, v2  }
0x290: {  	v57 =	vld.idx.msk [tilespmem:v54+s6+$0x0], $0xffff  }
0x291: {  	v1 =	vadd.f32 v55, v1  }
0x292: {  	v3 =	vld.idx.msk [tilespmem:v54+s7+$0x0], $0xffff  }
0x293: {  	v58 =	vadd.s32 $0x2850, v0;
	v1 =	vadd.f32 v4, v1  }
0x294: {  	v59 =	vld.idx.msk [tilespmem:v56+s6+$0x0], $0xffff  }
0x295: {  	v1 =	vadd.f32 v57, v1  }
0x296: {  	v2 =	vld.idx.msk [tilespmem:v56+s7+$0x0], $0xffff  }
0x297: {  	v60 =	vadd.s32 $0x3060, v0;
	v1 =	vadd.f32 v3, v1  }
0x298: {  	v61 =	vld.idx.msk [tilespmem:v58+s6+$0x0], $0xffff  }
0x299: {  	v1 =	vadd.f32 v59, v1  }
0x29a: {  	v4 =	vld.idx.msk [tilespmem:v58+s7+$0x0], $0xffff  }
0x29b: {  	v0 =	vadd.s32 $0x3870, v0;
	v1 =	vadd.f32 v2, v1  }
0x29c: {  	v62 =	vld.idx.msk [tilespmem:v60+s6+$0x0], $0xffff  }
0x29d: {  	v1 =	vadd.f32 v61, v1  }
0x29e: {  	v3 =	vld.idx.msk [tilespmem:v60+s7+$0x0], $0xffff  }
0x29f: {  	v1 =	vadd.f32 v4, v1  }
0x2a0: {  	v63 =	vld.idx.msk [tilespmem:v0+s6+$0x0], $0xffff  }
0x2a1: {  	v1 =	vadd.f32 v62, v1  }
0x2a2: {  	v0 =	vld.idx.msk [tilespmem:v0+s7+$0x0], $0xffff  }
0x2a3: {  	v1 =	vadd.f32 v3, v1;
	_ =	sdelay $0x1  }
0x2a4: {  	v1 =	vadd.f32 v63, v1;
	_ =	sdelay $0x1  }
0x2a5: {  	v0 =	vadd.f32 v0, v1  }
0x2a6: {  	s30 =	sshll.u32 s4, $0x4;
	s6 =	sadd.s32 $0x800, s5  }
0x2a7: {  	s5 =	simm.s32 $0x8100;
	s31 =	sadd.s32 s6, s30;
	[tilespmem:$0x8100] =	vst v0  }
0x2a8: {  	[hbm4b:s31+s2] =	stream.linear.scatter [tilespmem:s5], [sflag:$0x2], $0x80, $0x38;
	[tilespmem:$0x8980] =	vst v63  }
0x2a9: {  	_ =	swait.ge [sflag:s3], $0x80  }
0x2aa: {  	[sflag:s3] =	ssyncset.done $0x0  }
0x2ab: {  	[sflag:s3] =	ssyncadd.s32 $0xFFFFFF80  }
0x2ac: {  	p0 =	sne.s32 s4, $0x0;
	[bflag:$0x0] =	sbarrier.arrive $0xFFFF  }
0x2ad: {  	_ =	sfence.sel @p0 $0x180000  }
0x2ae: {  	[bflag:$0x0] =	sbarrier.arrive @p0 $0xFFFF  }
0x2af: {  	_ =	strace @p0 $0x90000047  }
0x2b0: {  	[bflag:$0x2] =	sbarrier.arrive @p0 $0xFFFF  }
0x2b1: {  	_ =	shalt @p0  }
.LBB2_1:
0x2b2: {  	s4 =	simm.s32 $0x8180  }
0x2b3: {  	[tilespmem:s4], [sflag:$0x2] =	stream.linear.gather [hbm4b:s6+s2], $0x800, $0x38;
	[tilespmem:$0x8980] =	vst v63  }
0x2b4: {  	_ =	swait.ge [sflag:s3], $0x800  }
0x2b5: {  	[sflag:s3] =	ssyncset.done $0x0  }
0x2b6: {  	[sflag:s3] =	ssyncadd.s32 $0xFFFFF800  }
0x2b7: {  	v0 =	vld [tilespmem:$0x8180];
	_ =	sdelay $0x1  }
0x2b8: {  	v1 =	vld [tilespmem:$0x8200];
	_ =	sdelay $0x1  }
0x2b9: {  	v2 =	vld [tilespmem:$0x8280]  }
0x2ba: {  	v0 =	vadd.f32 $0.0e+00, v0  }
0x2bb: {  	v3 =	vld [tilespmem:$0x8300]  }
0x2bc: {  	v0 =	vadd.f32 v1, v0  }
0x2bd: {  	v42 =	vld [tilespmem:$0x8380]  }
0x2be: {  	v0 =	vadd.f32 v2, v0  }
0x2bf: {  	v43 =	vld [tilespmem:$0x8400]  }
0x2c0: {  	v0 =	vadd.f32 v3, v0  }
0x2c1: {  	v44 =	vld [tilespmem:$0x8480]  }
0x2c2: {  	v0 =	vadd.f32 v42, v0  }
0x2c3: {  	v45 =	vld [tilespmem:$0x8500]  }
0x2c4: {  	v0 =	vadd.f32 v43, v0  }
0x2c5: {  	v46 =	vld [tilespmem:$0x8580]  }
0x2c6: {  	v0 =	vadd.f32 v44, v0  }
0x2c7: {  	v47 =	vld [tilespmem:$0x8600]  }
0x2c8: {  	v0 =	vadd.f32 v45, v0  }
0x2c9: {  	v48 =	vld [tilespmem:$0x8680]  }
0x2ca: {  	v0 =	vadd.f32 v46, v0  }
0x2cb: {  	v49 =	vld [tilespmem:$0x8700]  }
0x2cc: {  	v0 =	vadd.f32 v47, v0  }
0x2cd: {  	v50 =	vld [tilespmem:$0x8780]  }
0x2ce: {  	v0 =	vadd.f32 v48, v0  }
0x2cf: {  	v51 =	vld [tilespmem:$0x8800]  }
0x2d0: {  	v0 =	vadd.f32 v49, v0  }
0x2d1: {  	v4 =	vimm.s32 $0xFEDCBA98;
	v52 =	vld [tilespmem:$0x8880]  }
0x2d2: {  	v54 =	vimm.s32 $0x76543210;
	v4 =	vunpack.c.l.s4.s8 v4;
	v0 =	vadd.f32 v50, v0  }
0x2d3: {  	v53 =	vld [tilespmem:$0x8900];
	v1 =	vunpack.c.l.s4.s8 v54  }
0x2d4: {  	v55 =	vunpack.c.0.s8.s32 v4;
	v0 =	vadd.f32 v51, v0  }
0x2d5: {  	v56 =	vimm.s32 $0xBA98FEDC;
	v1 =	vunpack.c.0.s8.s32 v1  }
0x2d6: {  	v57 =	vimm.s32 $0x32107654;
	v2 =	vand.u32 $0xF, v55;
	v0 =	vadd.f32 v52, v0  }
0x2d7: {  	v1 =	vcombine.low v2, v1;
	v2 =	vunpack.c.l.s4.s8 v56;
	v3 =	vunpack.c.l.s4.s8 v57  }
0x2d8: {  	v0 =	vadd.f32 v53, v0  }
0x2d9: {  	v2 =	vunpack.c.0.s8.s32 v2;
	v3 =	vunpack.c.0.s8.s32 v3  }
0x2da: {  	v1 =	vperm.xlane v0, v1  }
0x2db: {  	v59 =	vimm.s32 $0xDCFE98BA;
	v60 =	vimm.s32 $0x54761032;
	v58 =	vcombine.low v3, v2  }
0x2dc: {  	v2 =	vunpack.c.l.s4.s8 v59;
	v3 =	vunpack.c.l.s4.s8 v60;
	v0 =	vadd.f32 v1, v0  }
0x2dd: {  	v62 =	vimm.s32 $0x67452301  }
0x2de: {  	v2 =	vunpack.c.0.s8.s32 v2;
	v3 =	vunpack.c.0.s8.s32 v3;
	v1 =	vperm.xlane v0, v58  }
0x2df: {  	v61 =	vimm.s32 $0xEFCDAB89;
	v63 =	vunpack.c.l.s4.s8 v62  }
0x2e0: {  	v2 =	vcombine.low v3, v2;
	v0 =	vadd.f32 v1, v0;
	v1 =	vunpack.c.l.s4.s8 v61;
	_ =	sdelay $0x1  }
0x2e1: {  	v3 =	vunpack.c.0.s8.s32 v63;
	v2 =	vperm.xlane v0, v2;
	v1 =	vunpack.c.0.s8.s32 v1;
	_ =	sdelay $0x1  }
0x2e2: {  	v0 =	vadd.f32 v2, v0;
	v1 =	vcombine.low v3, v1;
	_ =	sdelay $0x1  }
0x2e3: {  	v1 =	vperm.xlane v0, v1;
	_ =	sdelay $0x1  }
0x2e4: {  	v0 =	vadd.f32 v1, v0;
	_ =	sdelay $0x1  }
0x2e5: {  	v0 =	vmul.f32 $-2.441406250e-04, v0;
	_ =	sdelay $0x1  }
0x2e6: {  	[tilespmem:$0x8100] =	vst v0  }
0x2e7: {  	[hbm4b:s1+s2] =	stream.linear.scatter [tilespmem:s5], [sflag:$0x2], $0x80, $0x38;
	[tilespmem:$0x8980] =	vst v63  }
0x2e8: {  	_ =	swait.ge [sflag:s3], $0x80  }
0x2e9: {  	[sflag:s3] =	ssyncset.done $0x0  }
0x2ea: {  	[sflag:s3] =	ssyncadd.s32 $0xFFFFFF80  }
0x2eb: {  	_ =	sfence.sel $0x180000  }
0x2ec: {  	[bflag:$0x0] =	sbarrier.arrive $0xFFFF  }
0x2ed: {  	_ =	strace $0x90000047  }
0x2ee: {  	s0 =	sadd.s32 $0x100000, s0;
	[bflag:$0x2] =	sbarrier.arrive $0xFFFF  }
0x2ef: {  	[sflag:s0] =	ssyncadd.tile.s32 $0x1;
	_ =	shalt  }
.Lfunc_end2:
_tile_overlayer_lowered:
.L_overlay_start_2:
0x2f0: {  	(tag) =	ssettag $0x2  }
0x2f1: {  	s0 =	rddreg [dreg:$0x0];
	s2 =	stileid.u32  }
0x2f2: {  	s1 =	rddreg [dreg:$0x1];
	p0 =	sne.s32 s2, $0x0  }
0x2f3: {  	s3 =	rddreg [dreg:$0x2];
	[bflag:$0x3] =	sbarrier.arrive $0xFFFF;
	s2 =	simm.s32 @!p0 $0x1C02  }
0x2f4: {  	[timem:s3], [sflag:s2] =	dma.local @!p0 [hbm:s0], s1  }
0x2f5: {  	s0 =	simm.s32 @!p0 $0x2  }
0x2f6: {  	_ =	swait.ge @!p0 [sflag:s0], s1  }
0x2f7: {  	s1 =	ssub.s32 @!p0 $0x0, s1;
	[sflag:s0] =	ssyncset.done @!p0 $0x0  }
0x2f8: {  	[sflag:s0] =	ssyncadd.s32 @!p0 s1  }
0x2f9: {  	[bflag:$0x3] =	sbarrier.arrive $0xFFFF  }
0x2fa: {  	_ =	shalt  }

</sc_bundles>
